<compile_context>
chip_gen: v7x
topology: tpu7x:2x2x1
jax: 0.10.2.dev20260603
libtpu: 0.0.44.dev20260713+nightly
codegen_flags: <defaults>
</compile_context>

<pallas_src>
import functools

import jax
import jax.numpy as jnp
from jax import lax
from jax.experimental import pallas as pl
from jax.experimental.pallas import tpu as pltpu
from jax.experimental.pallas import tpu_sc as plsc

D_MODEL = 256
SEQ = 200
VOCAB = 6
BATCH = 1024
EPS = 1e-5

_NC = 2
_NS = 16
_NW = _NC * _NS

N_TOK = BATCH * SEQ
GCH = 80
CHUNK = 2 * GCH
NBUF = 2
N_CHUNKS = N_TOK // CHUNK
CHUNKS_PER_W = N_CHUNKS // _NW
ROWS_PER_W = CHUNKS_PER_W * CHUNK


NREP = 4


def _table_idx_kernel(x_ref, tok_ref, pos_ref, gamma_ref, beta_ref,
                      table_ref, idx_ref):
    emb = tok_ref[...][:, None, :] + pos_ref[...][None, :, :]
    mean = jnp.mean(emb, axis=-1, keepdims=True)
    cent = emb - mean
    var = jnp.mean(cent * cent, axis=-1, keepdims=True)
    normed = cent * lax.rsqrt(var + EPS)
    full = (normed * gamma_ref[...][None, :, :]
            + beta_ref[...][None, :, :])
    table_ref[...] = jnp.broadcast_to(full[None], table_ref.shape)
    s_iota = lax.broadcasted_iota(jnp.int32, idx_ref.shape, 1)
    b_iota = lax.broadcasted_iota(jnp.int32, idx_ref.shape, 0)
    rep = lax.rem(lax.div(b_iota, BATCH // _NW), NREP)
    idx_ref[...] = x_ref[...] * SEQ + s_iota + rep * (VOCAB * SEQ)


@functools.lru_cache(maxsize=1)
def _make_sc_gather():
    mesh = plsc.VectorSubcoreMesh(core_axis_name="c", subcore_axis_name="s")

    @functools.partial(
        pl.kernel,
        mesh=mesh,
        out_type=jax.ShapeDtypeStruct((N_TOK, D_MODEL), jnp.float32),
        scratch_types=[
            pltpu.VMEM((2 * CHUNKS_PER_W, GCH), jnp.int32),
            pltpu.VMEM((NBUF, CHUNK, D_MODEL), jnp.float32),
        ]
        + [pltpu.SemaphoreType.DMA] * (2 * NBUF),
    )
    def _sc_gather(table_hbm, idx_hbm, out_hbm, idx_v, rows, *sems):
        gsems = sems[:NBUF]
        osems = sems[NBUF:]
        wid = lax.axis_index("s") * _NC + lax.axis_index("c")
        row_base = wid * ROWS_PER_W
        pltpu.sync_copy(idx_hbm.at[wid], idx_v)

        def gath(i, b):
            pltpu.async_copy(table_hbm.at[idx_v.at[2 * i]],
                             rows.at[b, pl.ds(0, GCH)], gsems[b])
            pltpu.async_copy(table_hbm.at[idx_v.at[2 * i + 1]],
                             rows.at[b, pl.ds(GCH, GCH)], gsems[b])

        def gath_wait(i, b):
            pltpu.make_async_copy(
                table_hbm.at[idx_v.at[2 * i]],
                rows.at[b, pl.ds(0, GCH)], gsems[b]).wait()
            pltpu.make_async_copy(
                table_hbm.at[idx_v.at[2 * i + 1]],
                rows.at[b, pl.ds(GCH, GCH)], gsems[b]).wait()

        def scat(i, b):
            pltpu.async_copy(
                rows.at[b],
                out_hbm.at[pl.ds(row_base + i * CHUNK, CHUNK)], osems[b])

        def scat_wait(i, b):
            pltpu.make_async_copy(
                rows.at[b],
                out_hbm.at[pl.ds(row_base + i * CHUNK, CHUNK)],
                osems[b]).wait()

        gath(0, 0)
        gath_wait(0, 0)
        scat(0, 0)
        gath(1, 1)

        def body(g, carry):
            i1 = 2 * g + 1
            gath_wait(i1, 1)
            scat(i1, 1)
            scat_wait(i1 - 1, 0)
            gath(i1 + 1, 0)
            i2 = 2 * g + 2
            gath_wait(i2, 0)
            scat(i2, 0)
            scat_wait(i2 - 1, 1)
            gath(i2 + 1, 1)
            return carry

        lax.fori_loop(0, (CHUNKS_PER_W - 2) // 2, body, 0)
        last = CHUNKS_PER_W - 1
        gath_wait(last, 1)
        scat(last, 1)
        scat_wait(last - 1, 0)
        scat_wait(last, 1)

    return _sc_gather


def kernel(x, tok_embed, pos_embed, gamma, beta):
    x = x.astype(jnp.int32)
    table3, idx2 = pl.pallas_call(
        _table_idx_kernel,
        out_shape=(
            jax.ShapeDtypeStruct((NREP, VOCAB, SEQ, D_MODEL), jnp.float32),
            jax.ShapeDtypeStruct((BATCH, SEQ), jnp.int32),
        ),
    )(x, tok_embed, pos_embed,
      gamma.reshape(1, D_MODEL), beta.reshape(1, D_MODEL))

    table = table3.reshape(NREP * VOCAB * SEQ, D_MODEL)
    idx = idx2.reshape(_NW, 2 * CHUNKS_PER_W, GCH)
    out = _make_sc_gather()(table, idx)
    return out.reshape(BATCH, SEQ, D_MODEL)

# --- scband reference (transcript-rebuilt; emitter-appended) ---
"""Pipeline reference for scband-embedding-42563125903730 (READ-ONLY COPY).

The authoritative reference and input builder live on the scoring server;
editing this copy changes nothing except your own understanding.
"""

import jax, jax.numpy as jnp
import numpy as np

D_MODEL = 256
MAX_LEN = 200
VOCAB = 6
BATCH = 1024
SEQ = 200
EPS = 1e-5

def setup_inputs(seed: int = 0) -> dict:
    key = jax.random.key(seed)
    k1, k2, k3 = jax.random.split(key, 3)
    x = jax.random.randint(k1, (BATCH, SEQ), 0, VOCAB, dtype=jnp.int64 if jax.config.jax_enable_x64 else jnp.int32)
    tok_embed = jax.random.normal(k2, (VOCAB, D_MODEL), dtype=jnp.float32)
    pos_embed = jax.random.normal(k3, (MAX_LEN, D_MODEL), dtype=jnp.float32)
    gamma = jnp.ones((D_MODEL,), dtype=jnp.float32)
    beta = jnp.zeros((D_MODEL,), dtype=jnp.float32)
    return {"x": x, "tok_embed": tok_embed, "pos_embed": pos_embed, "gamma": gamma, "beta": beta}

def reference(x, tok_embed, pos_embed, gamma, beta):
    seq_len = x.shape[1]
    pos = jnp.arange(seq_len)
    pos = jnp.broadcast_to(pos[None, :], x.shape)
    embedding = jnp.take(pos_embed, pos, axis=0)
    embedding = embedding + jnp.take(tok_embed, x, axis=0)
    mean = jnp.mean(embedding, axis=-1, keepdims=True)
    var = jnp.mean(jnp.square(embedding - mean), axis=-1, keepdims=True)
    normed = (embedding - mean) / jnp.sqrt(var + EPS)
    out = normed * gamma + beta
    return out

if __name__ == "__main__":
    import jax
    _d = setup_inputs()
    print(jax.jit(kernel)(*tuple(_d.values())))

</pallas_src>

<mosaic_0001>
#map = affine_map<(d0, d1) -> (0, 0)>
#map1 = affine_map<(d0, d1) -> (0, 0, 0)>
module attributes {stable_mosaic.version = 14 : i64} {
  func.func @_sc_gather(%arg0: i32, %arg1: i32, %arg2: memref<4800x256xf32, #tpu.memory_space<hbm>>, %arg3: memref<32x80x80xi32, #tpu.memory_space<hbm>>, %arg4: memref<204800x256xf32, #tpu.memory_space<hbm>>, %arg5: memref<80x80xi32, #tpu.memory_space<vmem>>, %arg6: memref<2x160x256xf32, #tpu.memory_space<vmem>>, %arg7: memref<!tpu.dma_semaphore, #tpu.memory_space<semaphore_mem>>, %arg8: memref<!tpu.dma_semaphore, #tpu.memory_space<semaphore_mem>>, %arg9: memref<!tpu.dma_semaphore, #tpu.memory_space<semaphore_mem>>, %arg10: memref<!tpu.dma_semaphore, #tpu.memory_space<semaphore_mem>>) attributes {dimension_semantics = [#tpu.dimension_semantics<core_parallel>, #tpu.dimension_semantics<subcore_parallel>], iteration_bounds = array<i64: 2, 16>, scalar_prefetch = 0 : i64, scratch_operands = 6 : i64, tpu.core_type = #tpu.core_type<sc_vector_subcore>, window_params = [{transform_indices = #map}, {transform_indices = #map1}, {transform_indices = #map}]} {
    %mul3A = arith.constant 2 : i32
    %mul3A_0 = arith.muli %arg1, %mul3A : i32
    %add3A = arith.addi %mul3A_0, %arg0 : i32
    %mul3A_1 = arith.constant 6400 : i32
    %mul3A_2 = arith.muli %add3A, %mul3A_1 : i32
    "tpu.region"() ({
      %run_scoped3A = tpu.sem_alloc : memref<!tpu.dma_semaphore, #tpu.memory_space<semaphore_mem>>
      %dma_start3A_162 = arith.constant 0 : i32
      %dma_start3A_163 = arith.constant 0 : i32
      %dma_start3A_164 = tpu.memref_slice %arg3[%add3A, %dma_start3A_162, %dma_start3A_163] : memref<32x80x80xi32, #tpu.memory_space<hbm>> -> memref<1x80x80xi32, #tpu.memory_space<hbm>>
      %dma_start3A_165 = tpu.memref_squeeze %dma_start3A_164 : memref<1x80x80xi32, #tpu.memory_space<hbm>> -> memref<80x80xi32, #tpu.memory_space<hbm>>
      %dma_start3A_166 = arith.constant 0 : i32
      %dma_start3A_167 = arith.constant 0 : i32
      %dma_start3A_168 = tpu.memref_slice %arg3[%add3A, %dma_start3A_166, %dma_start3A_167] : memref<32x80x80xi32, #tpu.memory_space<hbm>> -> memref<1x80x80xi32, #tpu.memory_space<hbm>>
      %dma_start3A_169 = tpu.memref_squeeze %dma_start3A_168 : memref<1x80x80xi32, #tpu.memory_space<hbm>> -> memref<80x80xi32, #tpu.memory_space<hbm>>
      tpu.enqueue_dma source(%dma_start3A_169 : memref<80x80xi32, #tpu.memory_space<hbm>>) target(%arg5 : memref<80x80xi32, #tpu.memory_space<vmem>>) target_semaphore(%run_scoped3A : memref<!tpu.dma_semaphore, #tpu.memory_space<semaphore_mem>>)
      %dma_wait3A_170 = arith.constant 0 : i32
      %dma_wait3A_171 = arith.constant 0 : i32
      %dma_wait3A_172 = tpu.memref_slice %arg3[%add3A, %dma_wait3A_170, %dma_wait3A_171] : memref<32x80x80xi32, #tpu.memory_space<hbm>> -> memref<1x80x80xi32, #tpu.memory_space<hbm>>
      %dma_wait3A_173 = tpu.memref_squeeze %dma_wait3A_172 : memref<1x80x80xi32, #tpu.memory_space<hbm>> -> memref<80x80xi32, #tpu.memory_space<hbm>>
      %dma_wait3A_174 = arith.constant 0 : i32
      %dma_wait3A_175 = arith.constant 0 : i32
      %dma_wait3A_176 = tpu.memref_slice %arg3[%add3A, %dma_wait3A_174, %dma_wait3A_175] : memref<32x80x80xi32, #tpu.memory_space<hbm>> -> memref<1x80x80xi32, #tpu.memory_space<hbm>>
      %dma_wait3A_177 = tpu.memref_squeeze %dma_wait3A_176 : memref<1x80x80xi32, #tpu.memory_space<hbm>> -> memref<80x80xi32, #tpu.memory_space<hbm>>
      tpu.wait_dma2 semaphore(%run_scoped3A : memref<!tpu.dma_semaphore, #tpu.memory_space<semaphore_mem>>) src(%dma_wait3A_177 : memref<80x80xi32, #tpu.memory_space<hbm>>) dst(%arg5 : memref<80x80xi32, #tpu.memory_space<vmem>>)
      tpu.yield
    }) : () -> ()
    %dma_start3A = arith.constant 0 : i32
    %dma_start3A_3 = arith.constant 0 : i32
    %dma_start3A_4 = arith.constant 0 : i32
    %dma_start3A_5 = arith.constant 0 : i32
    %dma_start3A_6 = tpu.memref_slice %arg6[%dma_start3A_3, %dma_start3A_4, %dma_start3A_5] : memref<2x160x256xf32, #tpu.memory_space<vmem>> -> memref<1x80x256xf32, #tpu.memory_space<vmem>>
    %dma_start3A_7 = tpu.memref_squeeze %dma_start3A_6 : memref<1x80x256xf32, #tpu.memory_space<vmem>> -> memref<80x256xf32, #tpu.memory_space<vmem>>
    %dma_start3A_8 = arith.constant 0 : i32
    %dma_start3A_9 = tpu.memref_slice %arg5[%dma_start3A, %dma_start3A_8] : memref<80x80xi32, #tpu.memory_space<vmem>> -> memref<1x80xi32, #tpu.memory_space<vmem>>
    %dma_start3A_10 = tpu.memref_squeeze %dma_start3A_9 : memref<1x80xi32, #tpu.memory_space<vmem>> -> memref<80xi32, #tpu.memory_space<vmem>>
    %dma_start3A_11 = arith.constant 0 : i32
    %dma_start3A_12 = arith.constant 0 : i32
    %dma_start3A_13 = tpu.memref_slice %arg2[%dma_start3A_11, %dma_start3A_12] : memref<4800x256xf32, #tpu.memory_space<hbm>> -> memref<4800x256xf32, #tpu.memory_space<hbm>>
    tpu.enqueue_indirect_dma source(%dma_start3A_13 : memref<4800x256xf32, #tpu.memory_space<hbm>>) target(%dma_start3A_7 : memref<80x256xf32, #tpu.memory_space<vmem>>) offsets(%dma_start3A_10 : memref<80xi32, #tpu.memory_space<vmem>>) semaphore(%arg7 : memref<!tpu.dma_semaphore, #tpu.memory_space<semaphore_mem>>)
    %dma_start3A_14 = arith.constant 1 : i32
    %dma_start3A_15 = arith.constant 0 : i32
    %dma_start3A_16 = arith.constant 80 : i32
    %dma_start3A_17 = arith.constant 0 : i32
    %dma_start3A_18 = tpu.memref_slice %arg6[%dma_start3A_15, %dma_start3A_16, %dma_start3A_17] : memref<2x160x256xf32, #tpu.memory_space<vmem>> -> memref<1x80x256xf32, #tpu.memory_space<vmem>>
    %dma_start3A_19 = tpu.memref_squeeze %dma_start3A_18 : memref<1x80x256xf32, #tpu.memory_space<vmem>> -> memref<80x256xf32, #tpu.memory_space<vmem>>
    %dma_start3A_20 = arith.constant 0 : i32
    %dma_start3A_21 = tpu.memref_slice %arg5[%dma_start3A_14, %dma_start3A_20] : memref<80x80xi32, #tpu.memory_space<vmem>> -> memref<1x80xi32, #tpu.memory_space<vmem>>
    %dma_start3A_22 = tpu.memref_squeeze %dma_start3A_21 : memref<1x80xi32, #tpu.memory_space<vmem>> -> memref<80xi32, #tpu.memory_space<vmem>>
    %dma_start3A_23 = arith.constant 0 : i32
    %dma_start3A_24 = arith.constant 0 : i32
    %dma_start3A_25 = tpu.memref_slice %arg2[%dma_start3A_23, %dma_start3A_24] : memref<4800x256xf32, #tpu.memory_space<hbm>> -> memref<4800x256xf32, #tpu.memory_space<hbm>>
    tpu.enqueue_indirect_dma source(%dma_start3A_25 : memref<4800x256xf32, #tpu.memory_space<hbm>>) target(%dma_start3A_19 : memref<80x256xf32, #tpu.memory_space<vmem>>) offsets(%dma_start3A_22 : memref<80xi32, #tpu.memory_space<vmem>>) semaphore(%arg7 : memref<!tpu.dma_semaphore, #tpu.memory_space<semaphore_mem>>)
    %dma_wait3A = arith.constant 0 : i32
    %dma_wait3A_26 = arith.constant 0 : i32
    %dma_wait3A_27 = arith.constant 0 : i32
    %dma_wait3A_28 = arith.constant 0 : i32
    %dma_wait3A_29 = tpu.memref_slice %arg6[%dma_wait3A_26, %dma_wait3A_27, %dma_wait3A_28] : memref<2x160x256xf32, #tpu.memory_space<vmem>> -> memref<1x80x256xf32, #tpu.memory_space<vmem>>
    %dma_wait3A_30 = tpu.memref_squeeze %dma_wait3A_29 : memref<1x80x256xf32, #tpu.memory_space<vmem>> -> memref<80x256xf32, #tpu.memory_space<vmem>>
    %dma_wait3A_31 = arith.constant 0 : i32
    %dma_wait3A_32 = tpu.memref_slice %arg5[%dma_wait3A, %dma_wait3A_31] : memref<80x80xi32, #tpu.memory_space<vmem>> -> memref<1x80xi32, #tpu.memory_space<vmem>>
    %dma_wait3A_33 = tpu.memref_squeeze %dma_wait3A_32 : memref<1x80xi32, #tpu.memory_space<vmem>> -> memref<80xi32, #tpu.memory_space<vmem>>
    %dma_wait3A_34 = arith.constant 0 : i32
    %dma_wait3A_35 = arith.constant 0 : i32
    %dma_wait3A_36 = tpu.memref_slice %arg2[%dma_wait3A_34, %dma_wait3A_35] : memref<4800x256xf32, #tpu.memory_space<hbm>> -> memref<4800x256xf32, #tpu.memory_space<hbm>>
    tpu.wait_indirect_dma semaphore(%arg7 : memref<!tpu.dma_semaphore, #tpu.memory_space<semaphore_mem>>) src(%dma_wait3A_36 : memref<4800x256xf32, #tpu.memory_space<hbm>>) dst(%dma_wait3A_30 : memref<80x256xf32, #tpu.memory_space<vmem>>)
    %dma_wait3A_37 = arith.constant 1 : i32
    %dma_wait3A_38 = arith.constant 0 : i32
    %dma_wait3A_39 = arith.constant 80 : i32
    %dma_wait3A_40 = arith.constant 0 : i32
    %dma_wait3A_41 = tpu.memref_slice %arg6[%dma_wait3A_38, %dma_wait3A_39, %dma_wait3A_40] : memref<2x160x256xf32, #tpu.memory_space<vmem>> -> memref<1x80x256xf32, #tpu.memory_space<vmem>>
    %dma_wait3A_42 = tpu.memref_squeeze %dma_wait3A_41 : memref<1x80x256xf32, #tpu.memory_space<vmem>> -> memref<80x256xf32, #tpu.memory_space<vmem>>
    %dma_wait3A_43 = arith.constant 0 : i32
    %dma_wait3A_44 = tpu.memref_slice %arg5[%dma_wait3A_37, %dma_wait3A_43] : memref<80x80xi32, #tpu.memory_space<vmem>> -> memref<1x80xi32, #tpu.memory_space<vmem>>
    %dma_wait3A_45 = tpu.memref_squeeze %dma_wait3A_44 : memref<1x80xi32, #tpu.memory_space<vmem>> -> memref<80xi32, #tpu.memory_space<vmem>>
    %dma_wait3A_46 = arith.constant 0 : i32
    %dma_wait3A_47 = arith.constant 0 : i32
    %dma_wait3A_48 = tpu.memref_slice %arg2[%dma_wait3A_46, %dma_wait3A_47] : memref<4800x256xf32, #tpu.memory_space<hbm>> -> memref<4800x256xf32, #tpu.memory_space<hbm>>
    tpu.wait_indirect_dma semaphore(%arg7 : memref<!tpu.dma_semaphore, #tpu.memory_space<semaphore_mem>>) src(%dma_wait3A_48 : memref<4800x256xf32, #tpu.memory_space<hbm>>) dst(%dma_wait3A_42 : memref<80x256xf32, #tpu.memory_space<vmem>>)
    %add3A_49 = arith.constant 0 : i32
    %add3A_50 = arith.addi %mul3A_2, %add3A_49 : i32
    %dma_start3A_51 = arith.constant 0 : i32
    %dma_start3A_52 = arith.constant 0 : i32
    %dma_start3A_53 = arith.constant 0 : i32
    %dma_start3A_54 = tpu.memref_slice %arg6[%dma_start3A_51, %dma_start3A_52, %dma_start3A_53] : memref<2x160x256xf32, #tpu.memory_space<vmem>> -> memref<1x160x256xf32, #tpu.memory_space<vmem>>
    %dma_start3A_55 = tpu.memref_squeeze %dma_start3A_54 : memref<1x160x256xf32, #tpu.memory_space<vmem>> -> memref<160x256xf32, #tpu.memory_space<vmem>>
    %dma_start3A_56 = arith.constant 0 : i32
    %dma_start3A_57 = tpu.memref_slice %arg4[%add3A_50, %dma_start3A_56] : memref<204800x256xf32, #tpu.memory_space<hbm>> -> memref<160x256xf32, #tpu.memory_space<hbm>>
    %dma_start3A_58 = arith.constant 0 : i32
    %dma_start3A_59 = tpu.memref_slice %arg4[%add3A_50, %dma_start3A_58] : memref<204800x256xf32, #tpu.memory_space<hbm>> -> memref<160x256xf32, #tpu.memory_space<hbm>>
    %dma_start3A_60 = arith.constant 0 : i32
    %dma_start3A_61 = arith.constant 0 : i32
    %dma_start3A_62 = tpu.memref_slice %arg6[%dma_start3A_51, %dma_start3A_60, %dma_start3A_61] : memref<2x160x256xf32, #tpu.memory_space<vmem>> -> memref<1x160x256xf32, #tpu.memory_space<vmem>>
    %dma_start3A_63 = tpu.memref_squeeze %dma_start3A_62 : memref<1x160x256xf32, #tpu.memory_space<vmem>> -> memref<160x256xf32, #tpu.memory_space<vmem>>
    tpu.enqueue_dma source(%dma_start3A_63 : memref<160x256xf32, #tpu.memory_space<vmem>>) target(%dma_start3A_59 : memref<160x256xf32, #tpu.memory_space<hbm>>) target_semaphore(%arg9 : memref<!tpu.dma_semaphore, #tpu.memory_space<semaphore_mem>>)
    %dma_start3A_64 = arith.constant 2 : i32
    %dma_start3A_65 = arith.constant 1 : i32
    %dma_start3A_66 = arith.constant 0 : i32
    %dma_start3A_67 = arith.constant 0 : i32
    %dma_start3A_68 = tpu.memref_slice %arg6[%dma_start3A_65, %dma_start3A_66, %dma_start3A_67] : memref<2x160x256xf32, #tpu.memory_space<vmem>> -> memref<1x80x256xf32, #tpu.memory_space<vmem>>
    %dma_start3A_69 = tpu.memref_squeeze %dma_start3A_68 : memref<1x80x256xf32, #tpu.memory_space<vmem>> -> memref<80x256xf32, #tpu.memory_space<vmem>>
    %dma_start3A_70 = arith.constant 0 : i32
    %dma_start3A_71 = tpu.memref_slice %arg5[%dma_start3A_64, %dma_start3A_70] : memref<80x80xi32, #tpu.memory_space<vmem>> -> memref<1x80xi32, #tpu.memory_space<vmem>>
    %dma_start3A_72 = tpu.memref_squeeze %dma_start3A_71 : memref<1x80xi32, #tpu.memory_space<vmem>> -> memref<80xi32, #tpu.memory_space<vmem>>
    %dma_start3A_73 = arith.constant 0 : i32
    %dma_start3A_74 = arith.constant 0 : i32
    %dma_start3A_75 = tpu.memref_slice %arg2[%dma_start3A_73, %dma_start3A_74] : memref<4800x256xf32, #tpu.memory_space<hbm>> -> memref<4800x256xf32, #tpu.memory_space<hbm>>
    tpu.enqueue_indirect_dma source(%dma_start3A_75 : memref<4800x256xf32, #tpu.memory_space<hbm>>) target(%dma_start3A_69 : memref<80x256xf32, #tpu.memory_space<vmem>>) offsets(%dma_start3A_72 : memref<80xi32, #tpu.memory_space<vmem>>) semaphore(%arg8 : memref<!tpu.dma_semaphore, #tpu.memory_space<semaphore_mem>>)
    %dma_start3A_76 = arith.constant 3 : i32
    %dma_start3A_77 = arith.constant 1 : i32
    %dma_start3A_78 = arith.constant 80 : i32
    %dma_start3A_79 = arith.constant 0 : i32
    %dma_start3A_80 = tpu.memref_slice %arg6[%dma_start3A_77, %dma_start3A_78, %dma_start3A_79] : memref<2x160x256xf32, #tpu.memory_space<vmem>> -> memref<1x80x256xf32, #tpu.memory_space<vmem>>
    %dma_start3A_81 = tpu.memref_squeeze %dma_start3A_80 : memref<1x80x256xf32, #tpu.memory_space<vmem>> -> memref<80x256xf32, #tpu.memory_space<vmem>>
    %dma_start3A_82 = arith.constant 0 : i32
    %dma_start3A_83 = tpu.memref_slice %arg5[%dma_start3A_76, %dma_start3A_82] : memref<80x80xi32, #tpu.memory_space<vmem>> -> memref<1x80xi32, #tpu.memory_space<vmem>>
    %dma_start3A_84 = tpu.memref_squeeze %dma_start3A_83 : memref<1x80xi32, #tpu.memory_space<vmem>> -> memref<80xi32, #tpu.memory_space<vmem>>
    %dma_start3A_85 = arith.constant 0 : i32
    %dma_start3A_86 = arith.constant 0 : i32
    %dma_start3A_87 = tpu.memref_slice %arg2[%dma_start3A_85, %dma_start3A_86] : memref<4800x256xf32, #tpu.memory_space<hbm>> -> memref<4800x256xf32, #tpu.memory_space<hbm>>
    tpu.enqueue_indirect_dma source(%dma_start3A_87 : memref<4800x256xf32, #tpu.memory_space<hbm>>) target(%dma_start3A_81 : memref<80x256xf32, #tpu.memory_space<vmem>>) offsets(%dma_start3A_84 : memref<80xi32, #tpu.memory_space<vmem>>) semaphore(%arg8 : memref<!tpu.dma_semaphore, #tpu.memory_space<semaphore_mem>>)
    %scan3A = arith.constant 0 : i32
    %scan3A_88 = arith.constant 0 : i32
    %scan3A_89 = arith.constant 19 : i32
    %scan3A_90 = arith.addi %scan3A_88, %scan3A_89 : i32
    %scan3A_91 = arith.constant 1 : i32
    scf.for %scan3A_162 = %scan3A_88 to %scan3A_90 step %scan3A_91  : i32 {
      %mul3A_163 = arith.constant 2 : i32
      %mul3A_164 = arith.muli %mul3A_163, %scan3A_162 : i32
      %add3A_165 = arith.constant 1 : i32
      %add3A_166 = arith.addi %mul3A_164, %add3A_165 : i32
      %mul3A_167 = arith.constant 2 : i32
      %mul3A_168 = arith.muli %mul3A_167, %add3A_166 : i32
      %dma_wait3A_169 = arith.constant 1 : i32
      %dma_wait3A_170 = arith.constant 0 : i32
      %dma_wait3A_171 = arith.constant 0 : i32
      %dma_wait3A_172 = tpu.memref_slice %arg6[%dma_wait3A_169, %dma_wait3A_170, %dma_wait3A_171] : memref<2x160x256xf32, #tpu.memory_space<vmem>> -> memref<1x80x256xf32, #tpu.memory_space<vmem>>
      %dma_wait3A_173 = tpu.memref_squeeze %dma_wait3A_172 : memref<1x80x256xf32, #tpu.memory_space<vmem>> -> memref<80x256xf32, #tpu.memory_space<vmem>>
      %dma_wait3A_174 = arith.constant 0 : i32
      %dma_wait3A_175 = tpu.memref_slice %arg5[%mul3A_168, %dma_wait3A_174] : memref<80x80xi32, #tpu.memory_space<vmem>> -> memref<1x80xi32, #tpu.memory_space<vmem>>
      %dma_wait3A_176 = tpu.memref_squeeze %dma_wait3A_175 : memref<1x80xi32, #tpu.memory_space<vmem>> -> memref<80xi32, #tpu.memory_space<vmem>>
      %dma_wait3A_177 = arith.constant 0 : i32
      %dma_wait3A_178 = arith.constant 0 : i32
      %dma_wait3A_179 = tpu.memref_slice %arg2[%dma_wait3A_177, %dma_wait3A_178] : memref<4800x256xf32, #tpu.memory_space<hbm>> -> memref<4800x256xf32, #tpu.memory_space<hbm>>
      tpu.wait_indirect_dma semaphore(%arg8 : memref<!tpu.dma_semaphore, #tpu.memory_space<semaphore_mem>>) src(%dma_wait3A_179 : memref<4800x256xf32, #tpu.memory_space<hbm>>) dst(%dma_wait3A_173 : memref<80x256xf32, #tpu.memory_space<vmem>>)
      %mul3A_180 = arith.constant 2 : i32
      %mul3A_181 = arith.muli %mul3A_180, %add3A_166 : i32
      %add3A_182 = arith.constant 1 : i32
      %add3A_183 = arith.addi %mul3A_181, %add3A_182 : i32
      %dma_wait3A_184 = arith.constant 1 : i32
      %dma_wait3A_185 = arith.constant 80 : i32
      %dma_wait3A_186 = arith.constant 0 : i32
      %dma_wait3A_187 = tpu.memref_slice %arg6[%dma_wait3A_184, %dma_wait3A_185, %dma_wait3A_186] : memref<2x160x256xf32, #tpu.memory_space<vmem>> -> memref<1x80x256xf32, #tpu.memory_space<vmem>>
      %dma_wait3A_188 = tpu.memref_squeeze %dma_wait3A_187 : memref<1x80x256xf32, #tpu.memory_space<vmem>> -> memref<80x256xf32, #tpu.memory_space<vmem>>
      %dma_wait3A_189 = arith.constant 0 : i32
      %dma_wait3A_190 = tpu.memref_slice %arg5[%add3A_183, %dma_wait3A_189] : memref<80x80xi32, #tpu.memory_space<vmem>> -> memref<1x80xi32, #tpu.memory_space<vmem>>
      %dma_wait3A_191 = tpu.memref_squeeze %dma_wait3A_190 : memref<1x80xi32, #tpu.memory_space<vmem>> -> memref<80xi32, #tpu.memory_space<vmem>>
      %dma_wait3A_192 = arith.constant 0 : i32
      %dma_wait3A_193 = arith.constant 0 : i32
      %dma_wait3A_194 = tpu.memref_slice %arg2[%dma_wait3A_192, %dma_wait3A_193] : memref<4800x256xf32, #tpu.memory_space<hbm>> -> memref<4800x256xf32, #tpu.memory_space<hbm>>
      tpu.wait_indirect_dma semaphore(%arg8 : memref<!tpu.dma_semaphore, #tpu.memory_space<semaphore_mem>>) src(%dma_wait3A_194 : memref<4800x256xf32, #tpu.memory_space<hbm>>) dst(%dma_wait3A_188 : memref<80x256xf32, #tpu.memory_space<vmem>>)
      %mul3A_195 = arith.constant 160 : i32
      %mul3A_196 = arith.muli %add3A_166, %mul3A_195 : i32
      %add3A_197 = arith.addi %mul3A_2, %mul3A_196 : i32
      %dma_start3A_198 = arith.constant 1 : i32
      %dma_start3A_199 = arith.constant 0 : i32
      %dma_start3A_200 = arith.constant 0 : i32
      %dma_start3A_201 = tpu.memref_slice %arg6[%dma_start3A_198, %dma_start3A_199, %dma_start3A_200] : memref<2x160x256xf32, #tpu.memory_space<vmem>> -> memref<1x160x256xf32, #tpu.memory_space<vmem>>
      %dma_start3A_202 = tpu.memref_squeeze %dma_start3A_201 : memref<1x160x256xf32, #tpu.memory_space<vmem>> -> memref<160x256xf32, #tpu.memory_space<vmem>>
      %dma_start3A_203 = arith.constant 0 : i32
      %dma_start3A_204 = tpu.memref_slice %arg4[%add3A_197, %dma_start3A_203] : memref<204800x256xf32, #tpu.memory_space<hbm>> -> memref<160x256xf32, #tpu.memory_space<hbm>>
      %dma_start3A_205 = arith.constant 0 : i32
      %dma_start3A_206 = tpu.memref_slice %arg4[%add3A_197, %dma_start3A_205] : memref<204800x256xf32, #tpu.memory_space<hbm>> -> memref<160x256xf32, #tpu.memory_space<hbm>>
      %dma_start3A_207 = arith.constant 0 : i32
      %dma_start3A_208 = arith.constant 0 : i32
      %dma_start3A_209 = tpu.memref_slice %arg6[%dma_start3A_198, %dma_start3A_207, %dma_start3A_208] : memref<2x160x256xf32, #tpu.memory_space<vmem>> -> memref<1x160x256xf32, #tpu.memory_space<vmem>>
      %dma_start3A_210 = tpu.memref_squeeze %dma_start3A_209 : memref<1x160x256xf32, #tpu.memory_space<vmem>> -> memref<160x256xf32, #tpu.memory_space<vmem>>
      tpu.enqueue_dma source(%dma_start3A_210 : memref<160x256xf32, #tpu.memory_space<vmem>>) target(%dma_start3A_206 : memref<160x256xf32, #tpu.memory_space<hbm>>) target_semaphore(%arg10 : memref<!tpu.dma_semaphore, #tpu.memory_space<semaphore_mem>>)
      %sub3A = arith.constant 1 : i32
      %sub3A_211 = arith.subi %add3A_166, %sub3A : i32
      %mul3A_212 = arith.constant 160 : i32
      %mul3A_213 = arith.muli %sub3A_211, %mul3A_212 : i32
      %add3A_214 = arith.addi %mul3A_2, %mul3A_213 : i32
      %dma_wait3A_215 = arith.constant 0 : i32
      %dma_wait3A_216 = arith.constant 0 : i32
      %dma_wait3A_217 = arith.constant 0 : i32
      %dma_wait3A_218 = tpu.memref_slice %arg6[%dma_wait3A_215, %dma_wait3A_216, %dma_wait3A_217] : memref<2x160x256xf32, #tpu.memory_space<vmem>> -> memref<1x160x256xf32, #tpu.memory_space<vmem>>
      %dma_wait3A_219 = tpu.memref_squeeze %dma_wait3A_218 : memref<1x160x256xf32, #tpu.memory_space<vmem>> -> memref<160x256xf32, #tpu.memory_space<vmem>>
      %dma_wait3A_220 = arith.constant 0 : i32
      %dma_wait3A_221 = tpu.memref_slice %arg4[%add3A_214, %dma_wait3A_220] : memref<204800x256xf32, #tpu.memory_space<hbm>> -> memref<160x256xf32, #tpu.memory_space<hbm>>
      %dma_wait3A_222 = arith.constant 0 : i32
      %dma_wait3A_223 = tpu.memref_slice %arg4[%add3A_214, %dma_wait3A_222] : memref<204800x256xf32, #tpu.memory_space<hbm>> -> memref<160x256xf32, #tpu.memory_space<hbm>>
      %dma_wait3A_224 = arith.constant 0 : i32
      %dma_wait3A_225 = arith.constant 0 : i32
      %dma_wait3A_226 = tpu.memref_slice %arg6[%dma_wait3A_215, %dma_wait3A_224, %dma_wait3A_225] : memref<2x160x256xf32, #tpu.memory_space<vmem>> -> memref<1x160x256xf32, #tpu.memory_space<vmem>>
      %dma_wait3A_227 = tpu.memref_squeeze %dma_wait3A_226 : memref<1x160x256xf32, #tpu.memory_space<vmem>> -> memref<160x256xf32, #tpu.memory_space<vmem>>
      tpu.wait_dma2 semaphore(%arg9 : memref<!tpu.dma_semaphore, #tpu.memory_space<semaphore_mem>>) src(%dma_wait3A_227 : memref<160x256xf32, #tpu.memory_space<vmem>>) dst(%dma_wait3A_223 : memref<160x256xf32, #tpu.memory_space<hbm>>)
      %add3A_228 = arith.constant 1 : i32
      %add3A_229 = arith.addi %add3A_166, %add3A_228 : i32
      %mul3A_230 = arith.constant 2 : i32
      %mul3A_231 = arith.muli %mul3A_230, %add3A_229 : i32
      %dma_start3A_232 = arith.constant 0 : i32
      %dma_start3A_233 = arith.constant 0 : i32
      %dma_start3A_234 = arith.constant 0 : i32
      %dma_start3A_235 = tpu.memref_slice %arg6[%dma_start3A_232, %dma_start3A_233, %dma_start3A_234] : memref<2x160x256xf32, #tpu.memory_space<vmem>> -> memref<1x80x256xf32, #tpu.memory_space<vmem>>
      %dma_start3A_236 = tpu.memref_squeeze %dma_start3A_235 : memref<1x80x256xf32, #tpu.memory_space<vmem>> -> memref<80x256xf32, #tpu.memory_space<vmem>>
      %dma_start3A_237 = arith.constant 0 : i32
      %dma_start3A_238 = tpu.memref_slice %arg5[%mul3A_231, %dma_start3A_237] : memref<80x80xi32, #tpu.memory_space<vmem>> -> memref<1x80xi32, #tpu.memory_space<vmem>>
      %dma_start3A_239 = tpu.memref_squeeze %dma_start3A_238 : memref<1x80xi32, #tpu.memory_space<vmem>> -> memref<80xi32, #tpu.memory_space<vmem>>
      %dma_start3A_240 = arith.constant 0 : i32
      %dma_start3A_241 = arith.constant 0 : i32
      %dma_start3A_242 = tpu.memref_slice %arg2[%dma_start3A_240, %dma_start3A_241] : memref<4800x256xf32, #tpu.memory_space<hbm>> -> memref<4800x256xf32, #tpu.memory_space<hbm>>
      tpu.enqueue_indirect_dma source(%dma_start3A_242 : memref<4800x256xf32, #tpu.memory_space<hbm>>) target(%dma_start3A_236 : memref<80x256xf32, #tpu.memory_space<vmem>>) offsets(%dma_start3A_239 : memref<80xi32, #tpu.memory_space<vmem>>) semaphore(%arg7 : memref<!tpu.dma_semaphore, #tpu.memory_space<semaphore_mem>>)
      %mul3A_243 = arith.constant 2 : i32
      %mul3A_244 = arith.muli %mul3A_243, %add3A_229 : i32
      %add3A_245 = arith.constant 1 : i32
      %add3A_246 = arith.addi %mul3A_244, %add3A_245 : i32
      %dma_start3A_247 = arith.constant 0 : i32
      %dma_start3A_248 = arith.constant 80 : i32
      %dma_start3A_249 = arith.constant 0 : i32
      %dma_start3A_250 = tpu.memref_slice %arg6[%dma_start3A_247, %dma_start3A_248, %dma_start3A_249] : memref<2x160x256xf32, #tpu.memory_space<vmem>> -> memref<1x80x256xf32, #tpu.memory_space<vmem>>
      %dma_start3A_251 = tpu.memref_squeeze %dma_start3A_250 : memref<1x80x256xf32, #tpu.memory_space<vmem>> -> memref<80x256xf32, #tpu.memory_space<vmem>>
      %dma_start3A_252 = arith.constant 0 : i32
      %dma_start3A_253 = tpu.memref_slice %arg5[%add3A_246, %dma_start3A_252] : memref<80x80xi32, #tpu.memory_space<vmem>> -> memref<1x80xi32, #tpu.memory_space<vmem>>
      %dma_start3A_254 = tpu.memref_squeeze %dma_start3A_253 : memref<1x80xi32, #tpu.memory_space<vmem>> -> memref<80xi32, #tpu.memory_space<vmem>>
      %dma_start3A_255 = arith.constant 0 : i32
      %dma_start3A_256 = arith.constant 0 : i32
      %dma_start3A_257 = tpu.memref_slice %arg2[%dma_start3A_255, %dma_start3A_256] : memref<4800x256xf32, #tpu.memory_space<hbm>> -> memref<4800x256xf32, #tpu.memory_space<hbm>>
      tpu.enqueue_indirect_dma source(%dma_start3A_257 : memref<4800x256xf32, #tpu.memory_space<hbm>>) target(%dma_start3A_251 : memref<80x256xf32, #tpu.memory_space<vmem>>) offsets(%dma_start3A_254 : memref<80xi32, #tpu.memory_space<vmem>>) semaphore(%arg7 : memref<!tpu.dma_semaphore, #tpu.memory_space<semaphore_mem>>)
      %mul3A_258 = arith.constant 2 : i32
      %mul3A_259 = arith.muli %mul3A_258, %scan3A_162 : i32
      %add3A_260 = arith.constant 2 : i32
      %add3A_261 = arith.addi %mul3A_259, %add3A_260 : i32
      %mul3A_262 = arith.constant 2 : i32
      %mul3A_263 = arith.muli %mul3A_262, %add3A_261 : i32
      %dma_wait3A_264 = arith.constant 0 : i32
      %dma_wait3A_265 = arith.constant 0 : i32
      %dma_wait3A_266 = arith.constant 0 : i32
      %dma_wait3A_267 = tpu.memref_slice %arg6[%dma_wait3A_264, %dma_wait3A_265, %dma_wait3A_266] : memref<2x160x256xf32, #tpu.memory_space<vmem>> -> memref<1x80x256xf32, #tpu.memory_space<vmem>>
      %dma_wait3A_268 = tpu.memref_squeeze %dma_wait3A_267 : memref<1x80x256xf32, #tpu.memory_space<vmem>> -> memref<80x256xf32, #tpu.memory_space<vmem>>
      %dma_wait3A_269 = arith.constant 0 : i32
      %dma_wait3A_270 = tpu.memref_slice %arg5[%mul3A_263, %dma_wait3A_269] : memref<80x80xi32, #tpu.memory_space<vmem>> -> memref<1x80xi32, #tpu.memory_space<vmem>>
      %dma_wait3A_271 = tpu.memref_squeeze %dma_wait3A_270 : memref<1x80xi32, #tpu.memory_space<vmem>> -> memref<80xi32, #tpu.memory_space<vmem>>
      %dma_wait3A_272 = arith.constant 0 : i32
      %dma_wait3A_273 = arith.constant 0 : i32
      %dma_wait3A_274 = tpu.memref_slice %arg2[%dma_wait3A_272, %dma_wait3A_273] : memref<4800x256xf32, #tpu.memory_space<hbm>> -> memref<4800x256xf32, #tpu.memory_space<hbm>>
      tpu.wait_indirect_dma semaphore(%arg7 : memref<!tpu.dma_semaphore, #tpu.memory_space<semaphore_mem>>) src(%dma_wait3A_274 : memref<4800x256xf32, #tpu.memory_space<hbm>>) dst(%dma_wait3A_268 : memref<80x256xf32, #tpu.memory_space<vmem>>)
      %mul3A_275 = arith.constant 2 : i32
      %mul3A_276 = arith.muli %mul3A_275, %add3A_261 : i32
      %add3A_277 = arith.constant 1 : i32
      %add3A_278 = arith.addi %mul3A_276, %add3A_277 : i32
      %dma_wait3A_279 = arith.constant 0 : i32
      %dma_wait3A_280 = arith.constant 80 : i32
      %dma_wait3A_281 = arith.constant 0 : i32
      %dma_wait3A_282 = tpu.memref_slice %arg6[%dma_wait3A_279, %dma_wait3A_280, %dma_wait3A_281] : memref<2x160x256xf32, #tpu.memory_space<vmem>> -> memref<1x80x256xf32, #tpu.memory_space<vmem>>
      %dma_wait3A_283 = tpu.memref_squeeze %dma_wait3A_282 : memref<1x80x256xf32, #tpu.memory_space<vmem>> -> memref<80x256xf32, #tpu.memory_space<vmem>>
      %dma_wait3A_284 = arith.constant 0 : i32
      %dma_wait3A_285 = tpu.memref_slice %arg5[%add3A_278, %dma_wait3A_284] : memref<80x80xi32, #tpu.memory_space<vmem>> -> memref<1x80xi32, #tpu.memory_space<vmem>>
      %dma_wait3A_286 = tpu.memref_squeeze %dma_wait3A_285 : memref<1x80xi32, #tpu.memory_space<vmem>> -> memref<80xi32, #tpu.memory_space<vmem>>
      %dma_wait3A_287 = arith.constant 0 : i32
      %dma_wait3A_288 = arith.constant 0 : i32
      %dma_wait3A_289 = tpu.memref_slice %arg2[%dma_wait3A_287, %dma_wait3A_288] : memref<4800x256xf32, #tpu.memory_space<hbm>> -> memref<4800x256xf32, #tpu.memory_space<hbm>>
      tpu.wait_indirect_dma semaphore(%arg7 : memref<!tpu.dma_semaphore, #tpu.memory_space<semaphore_mem>>) src(%dma_wait3A_289 : memref<4800x256xf32, #tpu.memory_space<hbm>>) dst(%dma_wait3A_283 : memref<80x256xf32, #tpu.memory_space<vmem>>)
      %mul3A_290 = arith.constant 160 : i32
      %mul3A_291 = arith.muli %add3A_261, %mul3A_290 : i32
      %add3A_292 = arith.addi %mul3A_2, %mul3A_291 : i32
      %dma_start3A_293 = arith.constant 0 : i32
      %dma_start3A_294 = arith.constant 0 : i32
      %dma_start3A_295 = arith.constant 0 : i32
      %dma_start3A_296 = tpu.memref_slice %arg6[%dma_start3A_293, %dma_start3A_294, %dma_start3A_295] : memref<2x160x256xf32, #tpu.memory_space<vmem>> -> memref<1x160x256xf32, #tpu.memory_space<vmem>>
      %dma_start3A_297 = tpu.memref_squeeze %dma_start3A_296 : memref<1x160x256xf32, #tpu.memory_space<vmem>> -> memref<160x256xf32, #tpu.memory_space<vmem>>
      %dma_start3A_298 = arith.constant 0 : i32
      %dma_start3A_299 = tpu.memref_slice %arg4[%add3A_292, %dma_start3A_298] : memref<204800x256xf32, #tpu.memory_space<hbm>> -> memref<160x256xf32, #tpu.memory_space<hbm>>
      %dma_start3A_300 = arith.constant 0 : i32
      %dma_start3A_301 = tpu.memref_slice %arg4[%add3A_292, %dma_start3A_300] : memref<204800x256xf32, #tpu.memory_space<hbm>> -> memref<160x256xf32, #tpu.memory_space<hbm>>
      %dma_start3A_302 = arith.constant 0 : i32
      %dma_start3A_303 = arith.constant 0 : i32
      %dma_start3A_304 = tpu.memref_slice %arg6[%dma_start3A_293, %dma_start3A_302, %dma_start3A_303] : memref<2x160x256xf32, #tpu.memory_space<vmem>> -> memref<1x160x256xf32, #tpu.memory_space<vmem>>
      %dma_start3A_305 = tpu.memref_squeeze %dma_start3A_304 : memref<1x160x256xf32, #tpu.memory_space<vmem>> -> memref<160x256xf32, #tpu.memory_space<vmem>>
      tpu.enqueue_dma source(%dma_start3A_305 : memref<160x256xf32, #tpu.memory_space<vmem>>) target(%dma_start3A_301 : memref<160x256xf32, #tpu.memory_space<hbm>>) target_semaphore(%arg9 : memref<!tpu.dma_semaphore, #tpu.memory_space<semaphore_mem>>)
      %sub3A_306 = arith.constant 1 : i32
      %sub3A_307 = arith.subi %add3A_261, %sub3A_306 : i32
      %mul3A_308 = arith.constant 160 : i32
      %mul3A_309 = arith.muli %sub3A_307, %mul3A_308 : i32
      %add3A_310 = arith.addi %mul3A_2, %mul3A_309 : i32
      %dma_wait3A_311 = arith.constant 1 : i32
      %dma_wait3A_312 = arith.constant 0 : i32
      %dma_wait3A_313 = arith.constant 0 : i32
      %dma_wait3A_314 = tpu.memref_slice %arg6[%dma_wait3A_311, %dma_wait3A_312, %dma_wait3A_313] : memref<2x160x256xf32, #tpu.memory_space<vmem>> -> memref<1x160x256xf32, #tpu.memory_space<vmem>>
      %dma_wait3A_315 = tpu.memref_squeeze %dma_wait3A_314 : memref<1x160x256xf32, #tpu.memory_space<vmem>> -> memref<160x256xf32, #tpu.memory_space<vmem>>
      %dma_wait3A_316 = arith.constant 0 : i32
      %dma_wait3A_317 = tpu.memref_slice %arg4[%add3A_310, %dma_wait3A_316] : memref<204800x256xf32, #tpu.memory_space<hbm>> -> memref<160x256xf32, #tpu.memory_space<hbm>>
      %dma_wait3A_318 = arith.constant 0 : i32
      %dma_wait3A_319 = tpu.memref_slice %arg4[%add3A_310, %dma_wait3A_318] : memref<204800x256xf32, #tpu.memory_space<hbm>> -> memref<160x256xf32, #tpu.memory_space<hbm>>
      %dma_wait3A_320 = arith.constant 0 : i32
      %dma_wait3A_321 = arith.constant 0 : i32
      %dma_wait3A_322 = tpu.memref_slice %arg6[%dma_wait3A_311, %dma_wait3A_320, %dma_wait3A_321] : memref<2x160x256xf32, #tpu.memory_space<vmem>> -> memref<1x160x256xf32, #tpu.memory_space<vmem>>
      %dma_wait3A_323 = tpu.memref_squeeze %dma_wait3A_322 : memref<1x160x256xf32, #tpu.memory_space<vmem>> -> memref<160x256xf32, #tpu.memory_space<vmem>>
      tpu.wait_dma2 semaphore(%arg10 : memref<!tpu.dma_semaphore, #tpu.memory_space<semaphore_mem>>) src(%dma_wait3A_323 : memref<160x256xf32, #tpu.memory_space<vmem>>) dst(%dma_wait3A_319 : memref<160x256xf32, #tpu.memory_space<hbm>>)
      %add3A_324 = arith.constant 1 : i32
      %add3A_325 = arith.addi %add3A_261, %add3A_324 : i32
      %mul3A_326 = arith.constant 2 : i32
      %mul3A_327 = arith.muli %mul3A_326, %add3A_325 : i32
      %dma_start3A_328 = arith.constant 1 : i32
      %dma_start3A_329 = arith.constant 0 : i32
      %dma_start3A_330 = arith.constant 0 : i32
      %dma_start3A_331 = tpu.memref_slice %arg6[%dma_start3A_328, %dma_start3A_329, %dma_start3A_330] : memref<2x160x256xf32, #tpu.memory_space<vmem>> -> memref<1x80x256xf32, #tpu.memory_space<vmem>>
      %dma_start3A_332 = tpu.memref_squeeze %dma_start3A_331 : memref<1x80x256xf32, #tpu.memory_space<vmem>> -> memref<80x256xf32, #tpu.memory_space<vmem>>
      %dma_start3A_333 = arith.constant 0 : i32
      %dma_start3A_334 = tpu.memref_slice %arg5[%mul3A_327, %dma_start3A_333] : memref<80x80xi32, #tpu.memory_space<vmem>> -> memref<1x80xi32, #tpu.memory_space<vmem>>
      %dma_start3A_335 = tpu.memref_squeeze %dma_start3A_334 : memref<1x80xi32, #tpu.memory_space<vmem>> -> memref<80xi32, #tpu.memory_space<vmem>>
      %dma_start3A_336 = arith.constant 0 : i32
      %dma_start3A_337 = arith.constant 0 : i32
      %dma_start3A_338 = tpu.memref_slice %arg2[%dma_start3A_336, %dma_start3A_337] : memref<4800x256xf32, #tpu.memory_space<hbm>> -> memref<4800x256xf32, #tpu.memory_space<hbm>>
      tpu.enqueue_indirect_dma source(%dma_start3A_338 : memref<4800x256xf32, #tpu.memory_space<hbm>>) target(%dma_start3A_332 : memref<80x256xf32, #tpu.memory_space<vmem>>) offsets(%dma_start3A_335 : memref<80xi32, #tpu.memory_space<vmem>>) semaphore(%arg8 : memref<!tpu.dma_semaphore, #tpu.memory_space<semaphore_mem>>)
      %mul3A_339 = arith.constant 2 : i32
      %mul3A_340 = arith.muli %mul3A_339, %add3A_325 : i32
      %add3A_341 = arith.constant 1 : i32
      %add3A_342 = arith.addi %mul3A_340, %add3A_341 : i32
      %dma_start3A_343 = arith.constant 1 : i32
      %dma_start3A_344 = arith.constant 80 : i32
      %dma_start3A_345 = arith.constant 0 : i32
      %dma_start3A_346 = tpu.memref_slice %arg6[%dma_start3A_343, %dma_start3A_344, %dma_start3A_345] : memref<2x160x256xf32, #tpu.memory_space<vmem>> -> memref<1x80x256xf32, #tpu.memory_space<vmem>>
      %dma_start3A_347 = tpu.memref_squeeze %dma_start3A_346 : memref<1x80x256xf32, #tpu.memory_space<vmem>> -> memref<80x256xf32, #tpu.memory_space<vmem>>
      %dma_start3A_348 = arith.constant 0 : i32
      %dma_start3A_349 = tpu.memref_slice %arg5[%add3A_342, %dma_start3A_348] : memref<80x80xi32, #tpu.memory_space<vmem>> -> memref<1x80xi32, #tpu.memory_space<vmem>>
      %dma_start3A_350 = tpu.memref_squeeze %dma_start3A_349 : memref<1x80xi32, #tpu.memory_space<vmem>> -> memref<80xi32, #tpu.memory_space<vmem>>
      %dma_start3A_351 = arith.constant 0 : i32
      %dma_start3A_352 = arith.constant 0 : i32
      %dma_start3A_353 = tpu.memref_slice %arg2[%dma_start3A_351, %dma_start3A_352] : memref<4800x256xf32, #tpu.memory_space<hbm>> -> memref<4800x256xf32, #tpu.memory_space<hbm>>
      tpu.enqueue_indirect_dma source(%dma_start3A_353 : memref<4800x256xf32, #tpu.memory_space<hbm>>) target(%dma_start3A_347 : memref<80x256xf32, #tpu.memory_space<vmem>>) offsets(%dma_start3A_350 : memref<80xi32, #tpu.memory_space<vmem>>) semaphore(%arg8 : memref<!tpu.dma_semaphore, #tpu.memory_space<semaphore_mem>>)
    }
    %scan3A_92 = arith.constant 19 : i32
    %dma_wait3A_93 = arith.constant 78 : i32
    %dma_wait3A_94 = arith.constant 1 : i32
    %dma_wait3A_95 = arith.constant 0 : i32
    %dma_wait3A_96 = arith.constant 0 : i32
    %dma_wait3A_97 = tpu.memref_slice %arg6[%dma_wait3A_94, %dma_wait3A_95, %dma_wait3A_96] : memref<2x160x256xf32, #tpu.memory_space<vmem>> -> memref<1x80x256xf32, #tpu.memory_space<vmem>>
    %dma_wait3A_98 = tpu.memref_squeeze %dma_wait3A_97 : memref<1x80x256xf32, #tpu.memory_space<vmem>> -> memref<80x256xf32, #tpu.memory_space<vmem>>
    %dma_wait3A_99 = arith.constant 0 : i32
    %dma_wait3A_100 = tpu.memref_slice %arg5[%dma_wait3A_93, %dma_wait3A_99] : memref<80x80xi32, #tpu.memory_space<vmem>> -> memref<1x80xi32, #tpu.memory_space<vmem>>
    %dma_wait3A_101 = tpu.memref_squeeze %dma_wait3A_100 : memref<1x80xi32, #tpu.memory_space<vmem>> -> memref<80xi32, #tpu.memory_space<vmem>>
    %dma_wait3A_102 = arith.constant 0 : i32
    %dma_wait3A_103 = arith.constant 0 : i32
    %dma_wait3A_104 = tpu.memref_slice %arg2[%dma_wait3A_102, %dma_wait3A_103] : memref<4800x256xf32, #tpu.memory_space<hbm>> -> memref<4800x256xf32, #tpu.memory_space<hbm>>
    tpu.wait_indirect_dma semaphore(%arg8 : memref<!tpu.dma_semaphore, #tpu.memory_space<semaphore_mem>>) src(%dma_wait3A_104 : memref<4800x256xf32, #tpu.memory_space<hbm>>) dst(%dma_wait3A_98 : memref<80x256xf32, #tpu.memory_space<vmem>>)
    %dma_wait3A_105 = arith.constant 79 : i32
    %dma_wait3A_106 = arith.constant 1 : i32
    %dma_wait3A_107 = arith.constant 80 : i32
    %dma_wait3A_108 = arith.constant 0 : i32
    %dma_wait3A_109 = tpu.memref_slice %arg6[%dma_wait3A_106, %dma_wait3A_107, %dma_wait3A_108] : memref<2x160x256xf32, #tpu.memory_space<vmem>> -> memref<1x80x256xf32, #tpu.memory_space<vmem>>
    %dma_wait3A_110 = tpu.memref_squeeze %dma_wait3A_109 : memref<1x80x256xf32, #tpu.memory_space<vmem>> -> memref<80x256xf32, #tpu.memory_space<vmem>>
    %dma_wait3A_111 = arith.constant 0 : i32
    %dma_wait3A_112 = tpu.memref_slice %arg5[%dma_wait3A_105, %dma_wait3A_111] : memref<80x80xi32, #tpu.memory_space<vmem>> -> memref<1x80xi32, #tpu.memory_space<vmem>>
    %dma_wait3A_113 = tpu.memref_squeeze %dma_wait3A_112 : memref<1x80xi32, #tpu.memory_space<vmem>> -> memref<80xi32, #tpu.memory_space<vmem>>
    %dma_wait3A_114 = arith.constant 0 : i32
    %dma_wait3A_115 = arith.constant 0 : i32
    %dma_wait3A_116 = tpu.memref_slice %arg2[%dma_wait3A_114, %dma_wait3A_115] : memref<4800x256xf32, #tpu.memory_space<hbm>> -> memref<4800x256xf32, #tpu.memory_space<hbm>>
    tpu.wait_indirect_dma semaphore(%arg8 : memref<!tpu.dma_semaphore, #tpu.memory_space<semaphore_mem>>) src(%dma_wait3A_116 : memref<4800x256xf32, #tpu.memory_space<hbm>>) dst(%dma_wait3A_110 : memref<80x256xf32, #tpu.memory_space<vmem>>)
    %add3A_117 = arith.constant 6240 : i32
    %add3A_118 = arith.addi %mul3A_2, %add3A_117 : i32
    %dma_start3A_119 = arith.constant 1 : i32
    %dma_start3A_120 = arith.constant 0 : i32
    %dma_start3A_121 = arith.constant 0 : i32
    %dma_start3A_122 = tpu.memref_slice %arg6[%dma_start3A_119, %dma_start3A_120, %dma_start3A_121] : memref<2x160x256xf32, #tpu.memory_space<vmem>> -> memref<1x160x256xf32, #tpu.memory_space<vmem>>
    %dma_start3A_123 = tpu.memref_squeeze %dma_start3A_122 : memref<1x160x256xf32, #tpu.memory_space<vmem>> -> memref<160x256xf32, #tpu.memory_space<vmem>>
    %dma_start3A_124 = arith.constant 0 : i32
    %dma_start3A_125 = tpu.memref_slice %arg4[%add3A_118, %dma_start3A_124] : memref<204800x256xf32, #tpu.memory_space<hbm>> -> memref<160x256xf32, #tpu.memory_space<hbm>>
    %dma_start3A_126 = arith.constant 0 : i32
    %dma_start3A_127 = tpu.memref_slice %arg4[%add3A_118, %dma_start3A_126] : memref<204800x256xf32, #tpu.memory_space<hbm>> -> memref<160x256xf32, #tpu.memory_space<hbm>>
    %dma_start3A_128 = arith.constant 0 : i32
    %dma_start3A_129 = arith.constant 0 : i32
    %dma_start3A_130 = tpu.memref_slice %arg6[%dma_start3A_119, %dma_start3A_128, %dma_start3A_129] : memref<2x160x256xf32, #tpu.memory_space<vmem>> -> memref<1x160x256xf32, #tpu.memory_space<vmem>>
    %dma_start3A_131 = tpu.memref_squeeze %dma_start3A_130 : memref<1x160x256xf32, #tpu.memory_space<vmem>> -> memref<160x256xf32, #tpu.memory_space<vmem>>
    tpu.enqueue_dma source(%dma_start3A_131 : memref<160x256xf32, #tpu.memory_space<vmem>>) target(%dma_start3A_127 : memref<160x256xf32, #tpu.memory_space<hbm>>) target_semaphore(%arg10 : memref<!tpu.dma_semaphore, #tpu.memory_space<semaphore_mem>>)
    %add3A_132 = arith.constant 6080 : i32
    %add3A_133 = arith.addi %mul3A_2, %add3A_132 : i32
    %dma_wait3A_134 = arith.constant 0 : i32
    %dma_wait3A_135 = arith.constant 0 : i32
    %dma_wait3A_136 = arith.constant 0 : i32
    %dma_wait3A_137 = tpu.memref_slice %arg6[%dma_wait3A_134, %dma_wait3A_135, %dma_wait3A_136] : memref<2x160x256xf32, #tpu.memory_space<vmem>> -> memref<1x160x256xf32, #tpu.memory_space<vmem>>
    %dma_wait3A_138 = tpu.memref_squeeze %dma_wait3A_137 : memref<1x160x256xf32, #tpu.memory_space<vmem>> -> memref<160x256xf32, #tpu.memory_space<vmem>>
    %dma_wait3A_139 = arith.constant 0 : i32
    %dma_wait3A_140 = tpu.memref_slice %arg4[%add3A_133, %dma_wait3A_139] : memref<204800x256xf32, #tpu.memory_space<hbm>> -> memref<160x256xf32, #tpu.memory_space<hbm>>
    %dma_wait3A_141 = arith.constant 0 : i32
    %dma_wait3A_142 = tpu.memref_slice %arg4[%add3A_133, %dma_wait3A_141] : memref<204800x256xf32, #tpu.memory_space<hbm>> -> memref<160x256xf32, #tpu.memory_space<hbm>>
    %dma_wait3A_143 = arith.constant 0 : i32
    %dma_wait3A_144 = arith.constant 0 : i32
    %dma_wait3A_145 = tpu.memref_slice %arg6[%dma_wait3A_134, %dma_wait3A_143, %dma_wait3A_144] : memref<2x160x256xf32, #tpu.memory_space<vmem>> -> memref<1x160x256xf32, #tpu.memory_space<vmem>>
    %dma_wait3A_146 = tpu.memref_squeeze %dma_wait3A_145 : memref<1x160x256xf32, #tpu.memory_space<vmem>> -> memref<160x256xf32, #tpu.memory_space<vmem>>
    tpu.wait_dma2 semaphore(%arg9 : memref<!tpu.dma_semaphore, #tpu.memory_space<semaphore_mem>>) src(%dma_wait3A_146 : memref<160x256xf32, #tpu.memory_space<vmem>>) dst(%dma_wait3A_142 : memref<160x256xf32, #tpu.memory_space<hbm>>)
    %add3A_147 = arith.constant 6240 : i32
    %add3A_148 = arith.addi %mul3A_2, %add3A_147 : i32
    %dma_wait3A_149 = arith.constant 1 : i32
    %dma_wait3A_150 = arith.constant 0 : i32
    %dma_wait3A_151 = arith.constant 0 : i32
    %dma_wait3A_152 = tpu.memref_slice %arg6[%dma_wait3A_149, %dma_wait3A_150, %dma_wait3A_151] : memref<2x160x256xf32, #tpu.memory_space<vmem>> -> memref<1x160x256xf32, #tpu.memory_space<vmem>>
    %dma_wait3A_153 = tpu.memref_squeeze %dma_wait3A_152 : memref<1x160x256xf32, #tpu.memory_space<vmem>> -> memref<160x256xf32, #tpu.memory_space<vmem>>
    %dma_wait3A_154 = arith.constant 0 : i32
    %dma_wait3A_155 = tpu.memref_slice %arg4[%add3A_148, %dma_wait3A_154] : memref<204800x256xf32, #tpu.memory_space<hbm>> -> memref<160x256xf32, #tpu.memory_space<hbm>>
    %dma_wait3A_156 = arith.constant 0 : i32
    %dma_wait3A_157 = tpu.memref_slice %arg4[%add3A_148, %dma_wait3A_156] : memref<204800x256xf32, #tpu.memory_space<hbm>> -> memref<160x256xf32, #tpu.memory_space<hbm>>
    %dma_wait3A_158 = arith.constant 0 : i32
    %dma_wait3A_159 = arith.constant 0 : i32
    %dma_wait3A_160 = tpu.memref_slice %arg6[%dma_wait3A_149, %dma_wait3A_158, %dma_wait3A_159] : memref<2x160x256xf32, #tpu.memory_space<vmem>> -> memref<1x160x256xf32, #tpu.memory_space<vmem>>
    %dma_wait3A_161 = tpu.memref_squeeze %dma_wait3A_160 : memref<1x160x256xf32, #tpu.memory_space<vmem>> -> memref<160x256xf32, #tpu.memory_space<vmem>>
    tpu.wait_dma2 semaphore(%arg10 : memref<!tpu.dma_semaphore, #tpu.memory_space<semaphore_mem>>) src(%dma_wait3A_161 : memref<160x256xf32, #tpu.memory_space<vmem>>) dst(%dma_wait3A_157 : memref<160x256xf32, #tpu.memory_space<hbm>>)
    return
  }
}

module attributes {stable_mosaic.version = 14 : i64} {
  func.func @_table_idx_kernel(%arg0: memref<1024x200xi32, #tpu.memory_space<vmem>>, %arg1: memref<6x256xf32, #tpu.memory_space<vmem>>, %arg2: memref<200x256xf32, #tpu.memory_space<vmem>>, %arg3: memref<1x256xf32, #tpu.memory_space<vmem>>, %arg4: memref<1x256xf32, #tpu.memory_space<vmem>>, %arg5: memref<4x6x200x256xf32, #tpu.memory_space<vmem>>, %arg6: memref<1024x200xi32, #tpu.memory_space<vmem>>) attributes {dimension_semantics = [], scalar_prefetch = 0 : i64, scratch_operands = 0 : i64, tpu.core_type = #tpu.core_type<tc>} {
    %get3A = arith.constant 0 : index
    %get3A_0 = arith.constant 0 : index
    %get3A_1 = vector.load %arg1[%get3A, %get3A_0] : memref<6x256xf32, #tpu.memory_space<vmem>>, vector<6x256xf32>
    %broadcast_in_dim3A = vector.shape_cast %get3A_1 : vector<6x256xf32> to vector<6x1x256xf32>
    %get3A_2 = arith.constant 0 : index
    %get3A_3 = arith.constant 0 : index
    %get3A_4 = vector.load %arg2[%get3A_2, %get3A_3] : memref<200x256xf32, #tpu.memory_space<vmem>>, vector<200x256xf32>
    %broadcast_in_dim3A_5 = vector.shape_cast %get3A_4 : vector<200x256xf32> to vector<1x200x256xf32>
    %add3A = vector.broadcast %broadcast_in_dim3A : vector<6x1x256xf32> to vector<6x200x256xf32>
    %add3A_6 = vector.broadcast %broadcast_in_dim3A_5 : vector<1x200x256xf32> to vector<6x200x256xf32>
    %add3A_7 = arith.addf %add3A, %add3A_6 : vector<6x200x256xf32>
    %reduce_sum3A = arith.constant dense<0.000000e+00> : vector<6x200xf32>
    %reduce_sum3A_8 = vector.multi_reduction <add>, %add3A_7, %reduce_sum3A [2] : vector<6x200x256xf32> to vector<6x200xf32>
    %broadcast_in_dim3A_9 = vector.shape_cast %reduce_sum3A_8 : vector<6x200xf32> to vector<6x200x1xf32>
    %div3A = arith.constant 2.560000e+02 : f32
    %div3A_10 = vector.broadcast %div3A : f32 to vector<6x200x1xf32>
    %div3A_11 = arith.divf %broadcast_in_dim3A_9, %div3A_10 : vector<6x200x1xf32>
    %sub3A = vector.broadcast %div3A_11 : vector<6x200x1xf32> to vector<6x200x256xf32>
    %sub3A_12 = arith.subf %add3A_7, %sub3A : vector<6x200x256xf32>
    %mul3A = arith.mulf %sub3A_12, %sub3A_12 : vector<6x200x256xf32>
    %reduce_sum3A_13 = arith.constant dense<0.000000e+00> : vector<6x200xf32>
    %reduce_sum3A_14 = vector.multi_reduction <add>, %mul3A, %reduce_sum3A_13 [2] : vector<6x200x256xf32> to vector<6x200xf32>
    %broadcast_in_dim3A_15 = vector.shape_cast %reduce_sum3A_14 : vector<6x200xf32> to vector<6x200x1xf32>
    %div3A_16 = arith.constant 2.560000e+02 : f32
    %div3A_17 = vector.broadcast %div3A_16 : f32 to vector<6x200x1xf32>
    %div3A_18 = arith.divf %broadcast_in_dim3A_15, %div3A_17 : vector<6x200x1xf32>
    %add3A_19 = arith.constant 9.99999974E-6 : f32
    %add3A_20 = vector.broadcast %add3A_19 : f32 to vector<6x200x1xf32>
    %add3A_21 = arith.addf %div3A_18, %add3A_20 : vector<6x200x1xf32>
    %rsqrt3A = math.rsqrt %add3A_21 : vector<6x200x1xf32>
    %mul3A_22 = vector.broadcast %rsqrt3A : vector<6x200x1xf32> to vector<6x200x256xf32>
    %mul3A_23 = arith.mulf %sub3A_12, %mul3A_22 : vector<6x200x256xf32>
    %get3A_24 = arith.constant 0 : index
    %get3A_25 = arith.constant 0 : index
    %get3A_26 = vector.load %arg3[%get3A_24, %get3A_25] : memref<1x256xf32, #tpu.memory_space<vmem>>, vector<1x256xf32>
    %broadcast_in_dim3A_27 = vector.shape_cast %get3A_26 : vector<1x256xf32> to vector<1x1x256xf32>
    %mul3A_28 = vector.broadcast %broadcast_in_dim3A_27 : vector<1x1x256xf32> to vector<6x200x256xf32>
    %mul3A_29 = arith.mulf %mul3A_23, %mul3A_28 : vector<6x200x256xf32>
    %get3A_30 = arith.constant 0 : index
    %get3A_31 = arith.constant 0 : index
    %get3A_32 = vector.load %arg4[%get3A_30, %get3A_31] : memref<1x256xf32, #tpu.memory_space<vmem>>, vector<1x256xf32>
    %broadcast_in_dim3A_33 = vector.shape_cast %get3A_32 : vector<1x256xf32> to vector<1x1x256xf32>
    %add3A_34 = vector.broadcast %broadcast_in_dim3A_33 : vector<1x1x256xf32> to vector<6x200x256xf32>
    %add3A_35 = arith.addf %mul3A_29, %add3A_34 : vector<6x200x256xf32>
    %broadcast_in_dim3A_36 = vector.shape_cast %add3A_35 : vector<6x200x256xf32> to vector<1x6x200x256xf32>
    %broadcast_in_dim3A_37 = vector.shape_cast %broadcast_in_dim3A_36 : vector<1x6x200x256xf32> to vector<1x6x200x256xf32>
    %broadcast_in_dim3A_38 = vector.broadcast %broadcast_in_dim3A_37 : vector<1x6x200x256xf32> to vector<4x6x200x256xf32>
    %swap3A = arith.constant 0 : index
    %swap3A_39 = arith.constant 0 : index
    %swap3A_40 = arith.constant 0 : index
    %swap3A_41 = arith.constant 0 : index
    %swap3A_42 = vector.load %arg5[%swap3A, %swap3A_39, %swap3A_40, %swap3A_41] : memref<4x6x200x256xf32, #tpu.memory_space<vmem>>, vector<4x6x200x256xf32>
    tpu.vector_store %arg5[%swap3A, %swap3A_39, %swap3A_40, %swap3A_41], %broadcast_in_dim3A_38 {strides = array<i32>} : memref<4x6x200x256xf32, #tpu.memory_space<vmem>>, vector<4x6x200x256xf32>,
    %iota3A = tpu.iota {dimensions = array<i32: 1>} : vector<1024x200xi32>
    %iota3A_43 = tpu.iota {dimensions = array<i32: 0>} : vector<1024x200xi32>
    %div3A_44 = arith.constant 32 : i32
    %div3A_45 = vector.broadcast %div3A_44 : i32 to vector<1024x200xi32>
    %div3A_46 = arith.divsi %iota3A_43, %div3A_45 : vector<1024x200xi32>
    %rem3A = arith.constant 4 : i32
    %rem3A_47 = vector.broadcast %rem3A : i32 to vector<1024x200xi32>
    %rem3A_48 = arith.remsi %div3A_46, %rem3A_47 : vector<1024x200xi32>
    %get3A_49 = arith.constant 0 : index
    %get3A_50 = arith.constant 0 : index
    %get3A_51 = vector.load %arg0[%get3A_49, %get3A_50] : memref<1024x200xi32, #tpu.memory_space<vmem>>, vector<1024x200xi32>
    %mul3A_52 = arith.constant 200 : i32
    %mul3A_53 = vector.broadcast %mul3A_52 : i32 to vector<1024x200xi32>
    %mul3A_54 = arith.muli %get3A_51, %mul3A_53 : vector<1024x200xi32>
    %add3A_55 = arith.addi %mul3A_54, %iota3A : vector<1024x200xi32>
    %mul3A_56 = arith.constant 1200 : i32
    %mul3A_57 = vector.broadcast %mul3A_56 : i32 to vector<1024x200xi32>
    %mul3A_58 = arith.muli %rem3A_48, %mul3A_57 : vector<1024x200xi32>
    %add3A_59 = arith.addi %add3A_55, %mul3A_58 : vector<1024x200xi32>
    %swap3A_60 = arith.constant 0 : index
    %swap3A_61 = arith.constant 0 : index
    %swap3A_62 = vector.load %arg6[%swap3A_60, %swap3A_61] : memref<1024x200xi32, #tpu.memory_space<vmem>>, vector<1024x200xi32>
    tpu.vector_store %arg6[%swap3A_60, %swap3A_61], %add3A_59 {strides = array<i32>} : memref<1024x200xi32, #tpu.memory_space<vmem>>, vector<1024x200xi32>,
    return
  }
}

</mosaic_0001>

<sc_bundles>
// kernel: kernel.4.cloned.1.call-start
scs
__scs_entry_jumppad:
0x0: {  	(pc) =	sbr.rel $0x88, $3  }
0x1: {  	(tag) =	ssettag $0x0;
	lr =	simm.s32 $0x1  }
0x2: {  	[smem:$0x3F9C] =	sst lr;
	_ =	strace $0xD0000000  }
0x3: {  	_ = 	snop  }
0x4: {  	_ = 	snop  }
0x5: {  	_ = 	snop  }
0x6: {  	_ = 	snop  }
0x7: {  	_ = 	snop  }
__scs_overlays_trampoline_lowered:
0x8: {  	[smem:$0x3FAB] =	sst s0  }
0x9: {  	[smem:$0x3FAC] =	sst s1  }
0xa: {  	[smem:$0x3FAD] =	sst s2  }
0xb: {  	[smem:$0x3FAE] =	sst s3  }
0xc: {  	[smem:$0x3FAF] =	sst s4  }
0xd: {  	[smem:$0x3FB0] =	sst s5  }
0xe: {  	[smem:$0x3FB1] =	sst s6  }
0xf: {  	[smem:$0x3FB2] =	sst s7  }
0x10: {  	[smem:$0x3FB3] =	sst s8  }
0x11: {  	[smem:$0x3FB4] =	sst s9;
	s0 =	simm.s32 @!p0 $0x0  }
0x12: {  	s1 =	sld [smem:$0x3F9A];
	s0 =	simm.s32 @p0 $0x1  }
0x13: {  	[smem:$0x3FB5] =	sst s0;
	s0 =	simm.s32 @!p1 $0x0  }
0x14: {  	s2 =	sld [smem:$0x3F99];
	s0 =	simm.s32 @p1 $0x1  }
0x15: {  	[smem:$0x3FB6] =	sst s0;
	s0 =	simm.s32 @!p2 $0x0  }
0x16: {  	s3 =	sld [smem:$0x3FDB];
	s0 =	simm.s32 @p2 $0x1  }
0x17: {  	s4 =	simm.s32 $0x1BF5;
	[smem:$0x3FB8] =	sst s0  }
0x18: {  	s0 =	sld [smem:$0x3F9B];
	_ =	swait.ge [sflag:s4], $0x0  }
0x19: {  	s7 =	sld [smem:$0x3F9C]  }
0x1a: {  	s8 =	sadd.s32 $0xFFFFE003, lr  }
0x1b: {  	s9 =	sadd.s32 $0xFFFFFEF7, lr;
	s5 =	simm.s32 $0xFFFFFFFF;
	p2 =	slt.u32 s8, $0xFFFFF086  }
0x1c: {  	p1 =	slt.u32 s9, $0xF7A;
	s5 =	simm.s32 @!p2 $0x0  }
0x1d: {  	s5 =	simm.s32 @p1 $0x1;
	p0 =	seq.s32 s7, s2  }
0x1e: {  	s7 =	smul.u32 @!p0 $0xF7A, s2;
	p2 =	seq.s32 @!p0 s5, $0x0  }
0x1f: {  	s9 =	smul.u32 $0xF7A, s1;
	s8 =	simm.s32 @!p0 $0x1BF5;
	p2 =	por !p2, p0  }
0x20: {  	[sflag:s8] =	ssyncset.s32 @!p0 $0xFFFFF086;
	s6 =	sadd.s32 @!p0 s3, s7;
	s7 =	simm.s32 @!p0 $0x108  }
0x21: {  	s3 =	sadd.s32 s3, s9;
	s6 =	sadd.s32 @!p0 $0x88, s6;
	s7 =	simm.s32 @p2 $0x1082  }
0x22: {  	[simem:s7], [sflag:s8] =	dma.local @!p0 [hbm:s6], $0xF7A  }
0x23: {  	s9 =	sor.u32 $0xD0000000, s2;
	s6 =	simm.s32 $0x108;
	_ =	swait.ge @!p0 [sflag:s8], $0x0  }
0x24: {  	s3 =	sadd.s32 $0x88, s3;
	s6 =	simm.s32 @!p1 $0x1082;
	[sflag:s4] =	ssyncset.s32 $0xFFFFF086  }
0x25: {  	[simem:s6], [sflag:s4] =	dma.local [hbm:s3], $0xF7A  }
0x26: {  	[smem:$0x3F9C] =	sst s1;
	(tag) =	ssettag s2;
	_ =	strace s9  }
0x27: {  	s1 =	sld [smem:$0x3FAC]  }
0x28: {  	s2 =	sld [smem:$0x3FAD]  }
0x29: {  	s4 =	sld [smem:$0x3FAF]  }
0x2a: {  	p0 =	seq.s32 s5, $0x0;
	s5 =	sld [smem:$0x3FB0]  }
0x2b: {  	s6 =	sld [smem:$0x3FB1]  }
0x2c: {  	s7 =	sld [smem:$0x3FB2]  }
0x2d: {  	s3 =	simm.s32 $0x108;
	s8 =	sld [smem:$0x3FB3]  }
0x2e: {  	s3 =	simm.s32 @!p0 $0x1082;
	s9 =	sld [smem:$0x3FB4]  }
0x2f: {  	lr =	sadd.s32 s0, s3;
	s0 =	sld [smem:$0x3FAB]  }
0x30: {  	s3 =	sld [smem:$0x3FAE]  }
0x31: {  	[smem:$0x3FB7] =	sst s10  }
0x32: {  	s10 =	sld [smem:$0x3FB5];
	_ =	sdelay $0x3  }
0x33: {  	p0 =	seq.s32 s10, $0x1;
	s10 =	sld [smem:$0x3FB7];
	_ =	sdelay $0x3  }
0x34: {  	[smem:$0x3FB7] =	sst s10  }
0x35: {  	s10 =	sld [smem:$0x3FB6];
	_ =	sdelay $0x3  }
0x36: {  	p1 =	seq.s32 s10, $0x1;
	s10 =	sld [smem:$0x3FB7];
	_ =	sdelay $0x3  }
0x37: {  	[smem:$0x3FB7] =	sst s10  }
0x38: {  	s10 =	sld [smem:$0x3FB8]  }
0x39: {  	_ = 	snop;
	(pc) =	sbr.ind lr, $3  }
0x3a: {  	_ = 	snop  }
0x3b: {  	_ = 	snop  }
0x3c: {  	p2 =	seq.s32 s10, $0x1;
	s10 =	sld [smem:$0x3FB7]  }
0x3d: {  	_ =	shalt  }
0x3e: {  	_ =	shalt  }
0x3f: {  	_ =	shalt  }
0x40: {  	_ =	shalt  }
0x41: {  	_ =	shalt  }
0x42: {  	_ =	shalt  }
0x43: {  	_ =	shalt  }
0x44: {  	_ =	shalt  }
0x45: {  	_ =	shalt  }
0x46: {  	_ =	shalt  }
0x47: {  	_ =	shalt  }
0x48: {  	_ =	shalt  }
0x49: {  	_ =	shalt  }
0x4a: {  	_ =	shalt  }
0x4b: {  	_ =	shalt  }
0x4c: {  	_ =	shalt  }
0x4d: {  	_ =	shalt  }
0x4e: {  	_ =	shalt  }
0x4f: {  	_ =	shalt  }
0x50: {  	_ =	shalt  }
0x51: {  	_ =	shalt  }
0x52: {  	_ =	shalt  }
0x53: {  	_ =	shalt  }
0x54: {  	_ =	shalt  }
0x55: {  	_ =	shalt  }
0x56: {  	_ =	shalt  }
0x57: {  	_ =	shalt  }
0x58: {  	_ =	shalt  }
0x59: {  	_ =	shalt  }
0x5a: {  	_ =	shalt  }
0x5b: {  	_ =	shalt  }
0x5c: {  	_ =	shalt  }
0x5d: {  	_ =	shalt  }
0x5e: {  	_ =	shalt  }
0x5f: {  	_ =	shalt  }
0x60: {  	_ =	shalt  }
0x61: {  	_ =	shalt  }
0x62: {  	_ =	shalt  }
0x63: {  	_ =	shalt  }
0x64: {  	_ =	shalt  }
0x65: {  	_ =	shalt  }
0x66: {  	_ =	shalt  }
0x67: {  	_ =	shalt  }
0x68: {  	_ =	shalt  }
0x69: {  	_ =	shalt  }
0x6a: {  	_ =	shalt  }
0x6b: {  	_ =	shalt  }
0x6c: {  	_ =	shalt  }
0x6d: {  	_ =	shalt  }
0x6e: {  	_ =	shalt  }
0x6f: {  	_ =	shalt  }
0x70: {  	_ =	shalt  }
0x71: {  	_ =	shalt  }
0x72: {  	_ =	shalt  }
0x73: {  	_ =	shalt  }
0x74: {  	_ =	shalt  }
0x75: {  	_ =	shalt  }
0x76: {  	_ =	shalt  }
0x77: {  	_ =	shalt  }
0x78: {  	_ =	shalt  }
0x79: {  	_ =	shalt  }
0x7a: {  	_ =	shalt  }
0x7b: {  	_ =	shalt  }
0x7c: {  	_ =	shalt  }
0x7d: {  	_ =	shalt  }
0x7e: {  	_ =	shalt  }
0x7f: {  	_ =	shalt  }
0x80: {  	_ =	shalt  }
0x81: {  	_ =	shalt  }
0x82: {  	_ =	shalt  }
0x83: {  	_ =	shalt  }
0x84: {  	_ =	shalt  }
0x85: {  	_ =	shalt  }
0x86: {  	_ =	shalt  }
0x87: {  	_ =	shalt  }
.Lfunc_end0:
.L_simem_size_0:
called_computation_lowered:
.L_overlay_start_0:
0x88: {  	s2 =	sld [smem:$0x3FD9]  }
0x89: {  	s3 =	sld [smem:$0x3FFE];
	_ =	sdelay $0x1  }
0x8a: {  	s1 =	srdreg.scid  }
0x8b: {  	s0 =	sand.u32 $0x1, s1  }
0x8c: {  	s17 =	sshll.u32 s0, $0xA;
	s2 =	sadd.s32 s3, s2  }
0x8d: {  	s2 =	sadd.s32 s2, s17  }
0x8e: {  	[smem:$0x3FC3] =	sst s2  }
0x8f: {  	_ = 	snop  }
0x90: {  	s2 =	sld [smem:$0x3FD0];
	(tm) =	ssettm $0x1  }
0x91: {  	s18 =	sld [smem:$0x3FFB];
	_ =	sdelay $0x3  }
0x92: {  	_ =	strace s18  }
0x93: {  	s3 =	sld [smem:$0x3FFC];
	_ =	sdelay $0x3  }
0x94: {  	_ =	strace s3  }
0x95: {  	s3 =	sld [smem:$0x3FFD];
	_ =	sdelay $0x3  }
0x96: {  	_ =	strace s3  }
0x97: {  	_ =	strace $0x8FFFFFFF  }
0x98: {  	s19 =	sld [smem:$0x3FDB];
	_ =	sdelay $0x1  }
0x99: {  	s4 =	simm.s32 $_scs_section_size  }
0x9a: {  	s5 =	simm.s32 $_size__tile_overlayer_lowered;
	s6 =	simm.s32 $_tile_overlayer_lowered  }
0x9b: {  	s22 =	simm.s32 $0x1BFF;
	s21 =	sshll.u32 s6, $0x1;
	s3 =	sadd.s32 s4, s19  }
0x9c: {  	s7 =	simm.s32 $0x0;
	s20 =	sshll.u32 s5, $0x1;
	s5 =	sadd.s32 s21, s3  }
0x9d: {  	[timem:s7], [sflag:s22] =	dma.local [hbm:s5], s20  }
0x9e: {  	_ =	swait.ge [sflag:s22], s20  }
0x9f: {  	s4 =	ssub.s32 $0x0, s20;
	[sflag:s22] =	ssyncset.done $0x0  }
0xa0: {  	[sflag:s22] =	ssyncadd.s32 s4;
	_ =	sdelay $0x1  }
0xa1: {  	s23 =	simm.s32 $0x1B8B  }
0xa2: {  	_ =	swait.ge [sflag:s23], $0x1  }
0xa3: {  	[sflag:s23] =	ssyncset.done $0x0  }
0xa4: {  	s25 =	simm.s32 $0x1B8E;
	s24 =	sld [smem:$0x3FFE];
	[sflag:s23] =	ssyncadd.s32 $0xFFFFFFFF  }
0xa5: {  	s26 =	simm.s32 $execute0_lowered;
	[smem:$0x3FD2] =	sst s25  }
0xa6: {  	s5 =	sshll.u32 s26, $0x1;
	_ =	strace $0x80000046;
	[dreg:$0x1] =	wrdreg $0xFFFFFFFF  }
0xa7: {  	s28 =	simm.s32 $_size_execute0_lowered;
	s3 =	sadd.s32 s3, s5;
	[dreg:$0x0] =	wrdreg $0x0  }
0xa8: {  	s5 =	sshll.u32 s28, $0x1;
	[dreg:$0x2] =	wrdreg s3  }
0xa9: {  	[dreg:$0x3] =	wrdreg s5  }
0xaa: {  	[dreg:$0x4] =	wrdreg $0xC0  }
0xab: {  	_ =	task [dreg:s7], $0x5FFFF  }
0xac: {  	[dreg:$0x1] =	wrdreg $0xFFFFFFFF  }
0xad: {  	[dreg:$0x0] =	wrdreg $0x60  }
0xae: {  	[dreg:$0x2] =	wrdreg s24  }
0xaf: {  	[dreg:$0x3] =	wrdreg s2  }
0xb0: {  	[dreg:$0x4] =	wrdreg $0x9  }
0xb1: {  	_ =	task.clear_ibuf [dreg:s7], $0x5FFFF;
	_ =	strace $0x90000046  }
0xb2: {  	s29 =	simm.s32 $0x9;
	_ =	strace $0x80000048  }
0xb3: {  	_ =	swait.ge [sflag:s29], $0x1  }
0xb4: {  	[sflag:s29] =	ssyncadd.s32 $0xFFFFFFFF  }
0xb5: {  	_ =	strace $0x90000048  }
0xb6: {  	_ =	sfence  }
0xb7: {  	s30 =	sld [smem:$0x0];
	_ =	sdelay $0x2  }
0xb8: {  	s31 =	sshll.u32 s1, $0xD;
	s1 =	sshrl.u32 s1, $0x2  }
0xb9: {  	s3 =	sand.u32 $0x4000, s31;
	s1 =	sadd.s32 s1, s30  }
0xba: {  	s0 =	sor.u32 s3, s0;
	s1 =	sshll.u32 s1, $0x11  }
0xbb: {  	s0 =	sor.u32 s1, s0  }
0xbc: {  	s0 =	sadd.s32 $0x8F2B, s0  }
0xbd: {  	[sflag:s0] =	ssyncadd.remote.s32 $0x1  }
0xbe: {  	_ =	sfence.sel $0xFFFF  }
0xbf: {  	[dreg:$0x0] =	wrdreg $0xFFFFFFFF;
	(pc) =	sbr.abs _section_cstart, $3  }
0xc0: {  	[dreg:$0x1] =	wrdreg $0xFFFFFFFF  }
0xc1: {  	_ =	task.clear_ibuf [dreg:s7], $0x2FFFF;
	_ =	strace $0x9FFFFFFF  }
0xc2: {  	(tm) =	ssettm $0x7FFFFFFF  }
0xc3: {  	_ =	shalt  }
tec
execute0_lowered:
.L_overlay_start_1:
0x0: {  	(tag) =	ssettag $0x1  }
0x1: {  	s0 =	rddreg [dreg:$0x0]  }
0x2: {  	s1 =	srdreg.scid;
	s9 =	stileid.u32  }
0x3: {  	s4 =	rddreg [dreg:$0x1];
	s2 =	simm.s32 $0x0;
	s29 =	simm.s32 $0x3000  }
0x4: {  	s31 =	simm.s32 $0x3800;
	s10 =	simm.s32 $0x7000;
	s11 =	simm.s32 $0x7800  }
0x5: {  	s12 =	simm.s32 $0x8000;
	s13 =	simm.s32 $0x8800;
	s14 =	simm.s32 $0x9000  }
0x6: {  	s15 =	simm.s32 $0x9800;
	s16 =	simm.s32 $0xA000;
	s17 =	simm.s32 $0xA800  }
0x7: {  	s18 =	simm.s32 $0xB000;
	s19 =	simm.s32 $0xB800;
	s20 =	simm.s32 $0xC000  }
0x8: {  	s1 =	sand.u32 $0x1, s1;
	s3 =	sshll.u32 s9, $0x1;
	s9 =	smul.u32 $0x64000, s9  }
0x9: {  	s5 =	sor.u32 s1, s3;
	s8 =	ssub.s32 $0x2, s1;
	s1 =	smul.u32 $0x32000, s1  }
0xa: {  	s30 =	simm.s32 $0x1;
	s28 =	simm.s32 $0xD000;
	s6 =	smul.u32 $0x500, s5  }
0xb: {  	s21 =	simm.s32 $0xD800;
	[smem:$0x7FF] =	sst s2;
	s7 =	smul.u32 $0x32000, s5  }
0xc: {  	_ =	strace $0x80000047;
	s3 =	sadd.s32 $0x1000, s0;
	s5 =	smul.u32 $0x190000, s5  }
0xd: {  	s22 =	sshrl.u32 s8, $0x1;
	s24 =	sadd.s32 s9, s4;
	s9 =	simm.s32 $0xE000  }
0xe: {  	s25 =	sadd.s32 s1, s24;
	s1 =	simm.s32 $0xC800;
	s24 =	simm.s32 $0x4  }
0xf: {  	s0 =	sadd.s32 s6, s0;
	s6 =	ssub.s32 s8, s22;
	s5 =	sshrl.u32 s5, $0x3  }
0x10: {  	[dreg:$0x3] =	wrdreg s25;
	s8 =	simm.s32 $0x6800;
	s22 =	simm.s32 $0x2  }
0x11: {  	s25 =	simm.s32 $0x0;
	s0 =	sadd.s32 $0x26800, s0;
	s23 =	sadd.s32 s4, s5  }
0x12: {  	s4 =	sadd.s32 s4, s7;
	s26 =	smax.u32 s6, $0x1;
	[dreg:$0x8] =	wrdreg s25  }
0x13: {  	s5 =	simm.s32 $0x5000;
	s6 =	simm.s32 $0x5800;
	[dreg:$0x4] =	wrdreg s0  }
0x14: {  	v2 =	vlaneseq.u32;
	s7 =	simm.s32 $0x6000;
	[dreg:$0x5] =	wrdreg s4;
	s0 =	sadd.s32 $0x30C00, s23  }
0x15: {  	vm0 =	vmmov $0xffff;
	v1 =	vshrl.u32 v2, $0x3;
	[dreg:$0x7] =	wrdreg s26;
	s26 =	simm.s32 $0x2800;
	s4 =	simm.s32 $0x4800  }
0x16: {  	v0 =	vand.u32 $0x7, v2;
	v2 =	vor.u32 $0x8, v2;
	v1 =	vmul.u32 $0x8, v1;
	s23 =	simm.s32 $0x3;
	[dreg:$0x6] =	wrdreg s0;
	s0 =	simm.s32 $0x4000  }
.LBB2_1:
0x17: {  	s25 =	rddreg [dreg:$0x4]  }
0x18: {  	[tilespmem:s2], [sflag:$0x5] =	stream.linear.gather [hbm4b:s25+s2], $0x2800, $0x38;
	[tilespmem:$0x16800] =	vst v63  }
0x19: {  	s25 =	simm.s32 $0x5  }
0x1a: {  	_ =	swait.ge [sflag:s25], $0x2800  }
0x1b: {  	[sflag:s25] =	ssyncset.done $0x0  }
0x1c: {  	[sflag:s25] =	ssyncadd.s32 $0xFFFFD800  }
0x1d: {  	v3 =	vld [tilespmem:$0x0];
	_ =	sdelay $0x4  }
0x1e: {  	v4 =	vshll.u32 v3, $0x1  }
0x1f: {  	v3 =	vand.u32 $0x7, v3;
	v4 =	vand.u32 $0xFFFFFFF0, v4  }
0x20: {  	v3 =	vor.u32 v3, v4  }
0x21: {  	v4 =	vperm.xlane v3, v0;
	_ =	sdelay $0x1  }
0x22: {  	v3 =	vperm.xlane v3, v2;
	v4 =	vadd.s32 v1, v4;
	_ =	sdelay $0x1  }
0x23: {  	v3 =	vadd.s32 v1, v3;
	_ =	sdelay $0x2  }
0x24: {  	[tilespmem:s26], [sflag:$0x1] =	stream.indirect_vreg.gather [hbm4b:s3+s2], $0x80, v4, vm0, $0xb8;
	[tilespmem:$0x16800] =	vst v63  }
0x25: {  	_ = 	snop  }
0x26: {  	[tilespmem:s29], [sflag:$0x1] =	stream.indirect_vreg.gather [hbm4b:s3+s2], $0x80, v3, vm0, $0xb8;
	[tilespmem:$0x16800] =	vst v63  }
0x27: {  	v3 =	vld [tilespmem:$0x10];
	_ =	sdelay $0x4  }
0x28: {  	v45 =	vshll.u32 v3, $0x1  }
0x29: {  	v3 =	vand.u32 $0x7, v3;
	v4 =	vand.u32 $0xFFFFFFF0, v45  }
0x2a: {  	v3 =	vor.u32 v3, v4  }
0x2b: {  	v4 =	vperm.xlane v3, v0;
	_ =	sdelay $0x1  }
0x2c: {  	v3 =	vperm.xlane v3, v2;
	v4 =	vadd.s32 v1, v4;
	_ =	sdelay $0x1  }
0x2d: {  	v3 =	vadd.s32 v1, v3;
	_ =	sdelay $0x2  }
0x2e: {  	[tilespmem:s31], [sflag:$0x1] =	stream.indirect_vreg.gather [hbm4b:s3+s2], $0x80, v4, vm0, $0xb8;
	[tilespmem:$0x16800] =	vst v63  }
0x2f: {  	_ = 	snop  }
0x30: {  	[tilespmem:s0], [sflag:$0x1] =	stream.indirect_vreg.gather [hbm4b:s3+s2], $0x80, v3, vm0, $0xb8;
	[tilespmem:$0x16800] =	vst v63  }
0x31: {  	v3 =	vld [tilespmem:$0x20];
	_ =	sdelay $0x4  }
0x32: {  	v46 =	vshll.u32 v3, $0x1  }
0x33: {  	v3 =	vand.u32 $0x7, v3;
	v4 =	vand.u32 $0xFFFFFFF0, v46  }
0x34: {  	v3 =	vor.u32 v3, v4  }
0x35: {  	v4 =	vperm.xlane v3, v0;
	_ =	sdelay $0x1  }
0x36: {  	v3 =	vperm.xlane v3, v2;
	v4 =	vadd.s32 v1, v4;
	_ =	sdelay $0x1  }
0x37: {  	v3 =	vadd.s32 v1, v3;
	_ =	sdelay $0x2  }
0x38: {  	[tilespmem:s4], [sflag:$0x1] =	stream.indirect_vreg.gather [hbm4b:s3+s2], $0x80, v4, vm0, $0xb8;
	[tilespmem:$0x16800] =	vst v63  }
0x39: {  	_ = 	snop  }
0x3a: {  	[tilespmem:s5], [sflag:$0x1] =	stream.indirect_vreg.gather [hbm4b:s3+s2], $0x80, v3, vm0, $0xb8;
	[tilespmem:$0x16800] =	vst v63  }
0x3b: {  	v3 =	vld [tilespmem:$0x30];
	_ =	sdelay $0x4  }
0x3c: {  	v47 =	vshll.u32 v3, $0x1  }
0x3d: {  	v3 =	vand.u32 $0x7, v3;
	v4 =	vand.u32 $0xFFFFFFF0, v47  }
0x3e: {  	v3 =	vor.u32 v3, v4  }
0x3f: {  	v4 =	vperm.xlane v3, v0;
	_ =	sdelay $0x1  }
0x40: {  	v3 =	vperm.xlane v3, v2;
	v4 =	vadd.s32 v1, v4;
	_ =	sdelay $0x1  }
0x41: {  	v3 =	vadd.s32 v1, v3;
	_ =	sdelay $0x2  }
0x42: {  	[tilespmem:s6], [sflag:$0x1] =	stream.indirect_vreg.gather [hbm4b:s3+s2], $0x80, v4, vm0, $0xb8;
	[tilespmem:$0x16800] =	vst v63  }
0x43: {  	_ = 	snop  }
0x44: {  	[tilespmem:s7], [sflag:$0x1] =	stream.indirect_vreg.gather [hbm4b:s3+s2], $0x80, v3, vm0, $0xb8;
	[tilespmem:$0x16800] =	vst v63  }
0x45: {  	v3 =	vld [tilespmem:$0x40];
	_ =	sdelay $0x4  }
0x46: {  	v48 =	vshll.u32 v3, $0x1  }
0x47: {  	v3 =	vand.u32 $0x7, v3;
	v4 =	vand.u32 $0xFFFFFFF0, v48  }
0x48: {  	v3 =	vor.u32 v3, v4  }
0x49: {  	v4 =	vperm.xlane v3, v0;
	_ =	sdelay $0x1  }
0x4a: {  	v3 =	vperm.xlane v3, v2;
	v4 =	vadd.s32 v1, v4;
	_ =	sdelay $0x1  }
0x4b: {  	v3 =	vadd.s32 v1, v3;
	_ =	sdelay $0x2  }
0x4c: {  	[tilespmem:s8], [sflag:$0x1] =	stream.indirect_vreg.gather [hbm4b:s3+s2], $0x80, v4, vm0, $0xb8;
	[tilespmem:$0x16800] =	vst v63  }
0x4d: {  	_ = 	snop  }
0x4e: {  	[tilespmem:s10], [sflag:$0x1] =	stream.indirect_vreg.gather [hbm4b:s3+s2], $0x80, v3, vm0, $0xb8;
	[tilespmem:$0x16800] =	vst v63  }
0x4f: {  	v3 =	vld [tilespmem:$0x80];
	_ =	sdelay $0x4  }
0x50: {  	v49 =	vshll.u32 v3, $0x1  }
0x51: {  	v3 =	vand.u32 $0x7, v3;
	v4 =	vand.u32 $0xFFFFFFF0, v49  }
0x52: {  	v3 =	vor.u32 v3, v4  }
0x53: {  	v4 =	vperm.xlane v3, v0;
	_ =	sdelay $0x1  }
0x54: {  	v3 =	vperm.xlane v3, v2;
	v4 =	vadd.s32 v1, v4;
	_ =	sdelay $0x1  }
0x55: {  	v3 =	vadd.s32 v1, v3;
	_ =	sdelay $0x2  }
0x56: {  	[tilespmem:s11], [sflag:$0x1] =	stream.indirect_vreg.gather [hbm4b:s3+s2], $0x80, v4, vm0, $0xb8;
	[tilespmem:$0x16800] =	vst v63  }
0x57: {  	_ = 	snop  }
0x58: {  	[tilespmem:s12], [sflag:$0x1] =	stream.indirect_vreg.gather [hbm4b:s3+s2], $0x80, v3, vm0, $0xb8;
	[tilespmem:$0x16800] =	vst v63  }
0x59: {  	v3 =	vld [tilespmem:$0x90];
	_ =	sdelay $0x4  }
0x5a: {  	v50 =	vshll.u32 v3, $0x1  }
0x5b: {  	v3 =	vand.u32 $0x7, v3;
	v4 =	vand.u32 $0xFFFFFFF0, v50  }
0x5c: {  	v3 =	vor.u32 v3, v4  }
0x5d: {  	v4 =	vperm.xlane v3, v0;
	_ =	sdelay $0x1  }
0x5e: {  	v3 =	vperm.xlane v3, v2;
	v4 =	vadd.s32 v1, v4;
	_ =	sdelay $0x1  }
0x5f: {  	v3 =	vadd.s32 v1, v3;
	_ =	sdelay $0x2  }
0x60: {  	[tilespmem:s13], [sflag:$0x1] =	stream.indirect_vreg.gather [hbm4b:s3+s2], $0x80, v4, vm0, $0xb8;
	[tilespmem:$0x16800] =	vst v63  }
0x61: {  	_ = 	snop  }
0x62: {  	[tilespmem:s14], [sflag:$0x1] =	stream.indirect_vreg.gather [hbm4b:s3+s2], $0x80, v3, vm0, $0xb8;
	[tilespmem:$0x16800] =	vst v63  }
0x63: {  	v3 =	vld [tilespmem:$0xA0];
	_ =	sdelay $0x4  }
0x64: {  	v51 =	vshll.u32 v3, $0x1  }
0x65: {  	v3 =	vand.u32 $0x7, v3;
	v4 =	vand.u32 $0xFFFFFFF0, v51  }
0x66: {  	v3 =	vor.u32 v3, v4  }
0x67: {  	v4 =	vperm.xlane v3, v0;
	_ =	sdelay $0x1  }
0x68: {  	v3 =	vperm.xlane v3, v2;
	v4 =	vadd.s32 v1, v4;
	_ =	sdelay $0x1  }
0x69: {  	v3 =	vadd.s32 v1, v3;
	_ =	sdelay $0x2  }
0x6a: {  	[tilespmem:s15], [sflag:$0x1] =	stream.indirect_vreg.gather [hbm4b:s3+s2], $0x80, v4, vm0, $0xb8;
	[tilespmem:$0x16800] =	vst v63  }
0x6b: {  	_ = 	snop  }
0x6c: {  	[tilespmem:s16], [sflag:$0x1] =	stream.indirect_vreg.gather [hbm4b:s3+s2], $0x80, v3, vm0, $0xb8;
	[tilespmem:$0x16800] =	vst v63  }
0x6d: {  	v3 =	vld [tilespmem:$0xB0];
	_ =	sdelay $0x4  }
0x6e: {  	v52 =	vshll.u32 v3, $0x1  }
0x6f: {  	v3 =	vand.u32 $0x7, v3;
	v4 =	vand.u32 $0xFFFFFFF0, v52  }
0x70: {  	v3 =	vor.u32 v3, v4  }
0x71: {  	v4 =	vperm.xlane v3, v0;
	_ =	sdelay $0x1  }
0x72: {  	v3 =	vperm.xlane v3, v2;
	v4 =	vadd.s32 v1, v4;
	_ =	sdelay $0x1  }
0x73: {  	v3 =	vadd.s32 v1, v3;
	_ =	sdelay $0x2  }
0x74: {  	[tilespmem:s17], [sflag:$0x1] =	stream.indirect_vreg.gather [hbm4b:s3+s2], $0x80, v4, vm0, $0xb8;
	[tilespmem:$0x16800] =	vst v63  }
0x75: {  	_ = 	snop  }
0x76: {  	[tilespmem:s18], [sflag:$0x1] =	stream.indirect_vreg.gather [hbm4b:s3+s2], $0x80, v3, vm0, $0xb8;
	[tilespmem:$0x16800] =	vst v63  }
0x77: {  	v3 =	vld [tilespmem:$0xC0];
	_ =	sdelay $0x4  }
0x78: {  	v53 =	vshll.u32 v3, $0x1  }
0x79: {  	v3 =	vand.u32 $0x7, v3;
	v4 =	vand.u32 $0xFFFFFFF0, v53  }
0x7a: {  	v3 =	vor.u32 v3, v4  }
0x7b: {  	v4 =	vperm.xlane v3, v0;
	_ =	sdelay $0x1  }
0x7c: {  	v3 =	vperm.xlane v3, v2;
	v4 =	vadd.s32 v1, v4;
	_ =	sdelay $0x1  }
0x7d: {  	v3 =	vadd.s32 v1, v3;
	_ =	sdelay $0x2  }
0x7e: {  	[tilespmem:s19], [sflag:$0x1] =	stream.indirect_vreg.gather [hbm4b:s3+s2], $0x80, v4, vm0, $0xb8;
	[tilespmem:$0x16800] =	vst v63  }
0x7f: {  	_ = 	snop  }
0x80: {  	[tilespmem:s20], [sflag:$0x1] =	stream.indirect_vreg.gather [hbm4b:s3+s2], $0x80, v3, vm0, $0xb8;
	[tilespmem:$0x16800] =	vst v63  }
0x81: {  	_ =	swait.ge [sflag:s30], $0x5000  }
0x82: {  	[sflag:s30] =	ssyncset.done $0x0  }
0x83: {  	[sflag:s30] =	ssyncadd.s32 $0xFFFFB000  }
0x84: {  	_ =	swait.ge [sflag:s30], $0x5000  }
0x85: {  	[sflag:s30] =	ssyncset.done $0x0  }
0x86: {  	s11 =	rddreg [dreg:$0x5];
	[sflag:s30] =	ssyncadd.s32 $0xFFFFB000  }
0x87: {  	[hbm4b:s11+s2] =	stream.linear.scatter [tilespmem:s26], [sflag:$0x3], $0xA000, $0x38;
	[tilespmem:$0x16800] =	vst v63  }
0x88: {  	v3 =	vld [tilespmem:$0x100];
	_ =	sdelay $0x4  }
0x89: {  	v54 =	vshll.u32 v3, $0x1  }
0x8a: {  	v3 =	vand.u32 $0x7, v3;
	v4 =	vand.u32 $0xFFFFFFF0, v54  }
0x8b: {  	v3 =	vor.u32 v3, v4  }
0x8c: {  	v4 =	vperm.xlane v3, v0;
	_ =	sdelay $0x1  }
0x8d: {  	v3 =	vperm.xlane v3, v2;
	v4 =	vadd.s32 v1, v4;
	_ =	sdelay $0x1  }
0x8e: {  	v3 =	vadd.s32 v1, v3;
	_ =	sdelay $0x2  }
0x8f: {  	[tilespmem:s1], [sflag:$0x2] =	stream.indirect_vreg.gather [hbm4b:s3+s2], $0x80, v4, vm0, $0xb8;
	[tilespmem:$0x16800] =	vst v63  }
0x90: {  	_ = 	snop  }
0x91: {  	[tilespmem:s28], [sflag:$0x2] =	stream.indirect_vreg.gather [hbm4b:s3+s2], $0x80, v3, vm0, $0xb8;
	[tilespmem:$0x16800] =	vst v63  }
0x92: {  	v3 =	vld [tilespmem:$0x110];
	_ =	sdelay $0x4  }
0x93: {  	v55 =	vshll.u32 v3, $0x1  }
0x94: {  	v3 =	vand.u32 $0x7, v3;
	v4 =	vand.u32 $0xFFFFFFF0, v55  }
0x95: {  	v3 =	vor.u32 v3, v4  }
0x96: {  	v4 =	vperm.xlane v3, v0;
	_ =	sdelay $0x1  }
0x97: {  	v3 =	vperm.xlane v3, v2;
	v4 =	vadd.s32 v1, v4;
	_ =	sdelay $0x1  }
0x98: {  	v3 =	vadd.s32 v1, v3;
	_ =	sdelay $0x2  }
0x99: {  	[tilespmem:s21], [sflag:$0x2] =	stream.indirect_vreg.gather [hbm4b:s3+s2], $0x80, v4, vm0, $0xb8;
	[tilespmem:$0x16800] =	vst v63  }
0x9a: {  	_ = 	snop  }
0x9b: {  	[tilespmem:s9], [sflag:$0x2] =	stream.indirect_vreg.gather [hbm4b:s3+s2], $0x80, v3, vm0, $0xb8;
	[tilespmem:$0x16800] =	vst v63  }
0x9c: {  	v3 =	vld [tilespmem:$0x120];
	_ =	sdelay $0x4  }
0x9d: {  	v56 =	vshll.u32 v3, $0x1  }
0x9e: {  	v3 =	vand.u32 $0x7, v3;
	v4 =	vand.u32 $0xFFFFFFF0, v56  }
0x9f: {  	v3 =	vor.u32 v3, v4  }
0xa0: {  	v4 =	vperm.xlane v3, v0;
	_ =	sdelay $0x1  }
0xa1: {  	v3 =	vperm.xlane v3, v2;
	v4 =	vadd.s32 v1, v4;
	_ =	sdelay $0x1  }
0xa2: {  	v3 =	vadd.s32 v1, v3;
	_ =	sdelay $0x1  }
0xa3: {  	s12 =	simm.s32 $0xE800  }
0xa4: {  	[tilespmem:s12], [sflag:$0x2] =	stream.indirect_vreg.gather [hbm4b:s3+s2], $0x80, v4, vm0, $0xb8;
	[tilespmem:$0x16800] =	vst v63  }
0xa5: {  	s13 =	simm.s32 $0xF000  }
0xa6: {  	[tilespmem:s13], [sflag:$0x2] =	stream.indirect_vreg.gather [hbm4b:s3+s2], $0x80, v3, vm0, $0xb8;
	[tilespmem:$0x16800] =	vst v63  }
0xa7: {  	v3 =	vld [tilespmem:$0x130];
	_ =	sdelay $0x4  }
0xa8: {  	v57 =	vshll.u32 v3, $0x1  }
0xa9: {  	v3 =	vand.u32 $0x7, v3;
	v4 =	vand.u32 $0xFFFFFFF0, v57  }
0xaa: {  	v3 =	vor.u32 v3, v4  }
0xab: {  	v4 =	vperm.xlane v3, v0;
	_ =	sdelay $0x1  }
0xac: {  	v3 =	vperm.xlane v3, v2;
	v4 =	vadd.s32 v1, v4;
	_ =	sdelay $0x1  }
0xad: {  	v3 =	vadd.s32 v1, v3;
	_ =	sdelay $0x1  }
0xae: {  	s14 =	simm.s32 $0xF800  }
0xaf: {  	[tilespmem:s14], [sflag:$0x2] =	stream.indirect_vreg.gather [hbm4b:s3+s2], $0x80, v4, vm0, $0xb8;
	[tilespmem:$0x16800] =	vst v63  }
0xb0: {  	s15 =	simm.s32 $0x10000  }
0xb1: {  	[tilespmem:s15], [sflag:$0x2] =	stream.indirect_vreg.gather [hbm4b:s3+s2], $0x80, v3, vm0, $0xb8;
	[tilespmem:$0x16800] =	vst v63  }
0xb2: {  	v3 =	vld [tilespmem:$0x140];
	_ =	sdelay $0x4  }
0xb3: {  	v58 =	vshll.u32 v3, $0x1  }
0xb4: {  	v3 =	vand.u32 $0x7, v3;
	v4 =	vand.u32 $0xFFFFFFF0, v58  }
0xb5: {  	v3 =	vor.u32 v3, v4  }
0xb6: {  	v4 =	vperm.xlane v3, v0;
	_ =	sdelay $0x1  }
0xb7: {  	v3 =	vperm.xlane v3, v2;
	v4 =	vadd.s32 v1, v4;
	_ =	sdelay $0x1  }
0xb8: {  	v3 =	vadd.s32 v1, v3;
	_ =	sdelay $0x1  }
0xb9: {  	s16 =	simm.s32 $0x10800  }
0xba: {  	[tilespmem:s16], [sflag:$0x2] =	stream.indirect_vreg.gather [hbm4b:s3+s2], $0x80, v4, vm0, $0xb8;
	[tilespmem:$0x16800] =	vst v63  }
0xbb: {  	s17 =	simm.s32 $0x11000  }
0xbc: {  	[tilespmem:s17], [sflag:$0x2] =	stream.indirect_vreg.gather [hbm4b:s3+s2], $0x80, v3, vm0, $0xb8;
	[tilespmem:$0x16800] =	vst v63  }
0xbd: {  	v3 =	vld [tilespmem:$0x180];
	_ =	sdelay $0x4  }
0xbe: {  	v59 =	vshll.u32 v3, $0x1  }
0xbf: {  	v3 =	vand.u32 $0x7, v3;
	v4 =	vand.u32 $0xFFFFFFF0, v59  }
0xc0: {  	v3 =	vor.u32 v3, v4  }
0xc1: {  	v4 =	vperm.xlane v3, v0;
	_ =	sdelay $0x1  }
0xc2: {  	v3 =	vperm.xlane v3, v2;
	v4 =	vadd.s32 v1, v4;
	_ =	sdelay $0x1  }
0xc3: {  	v3 =	vadd.s32 v1, v3;
	_ =	sdelay $0x1  }
0xc4: {  	s18 =	simm.s32 $0x11800  }
0xc5: {  	[tilespmem:s18], [sflag:$0x2] =	stream.indirect_vreg.gather [hbm4b:s3+s2], $0x80, v4, vm0, $0xb8;
	[tilespmem:$0x16800] =	vst v63  }
0xc6: {  	s19 =	simm.s32 $0x12000  }
0xc7: {  	[tilespmem:s19], [sflag:$0x2] =	stream.indirect_vreg.gather [hbm4b:s3+s2], $0x80, v3, vm0, $0xb8;
	[tilespmem:$0x16800] =	vst v63  }
0xc8: {  	v3 =	vld [tilespmem:$0x190];
	_ =	sdelay $0x4  }
0xc9: {  	v60 =	vshll.u32 v3, $0x1  }
0xca: {  	v3 =	vand.u32 $0x7, v3;
	v4 =	vand.u32 $0xFFFFFFF0, v60  }
0xcb: {  	v3 =	vor.u32 v3, v4  }
0xcc: {  	v4 =	vperm.xlane v3, v0;
	_ =	sdelay $0x1  }
0xcd: {  	v3 =	vperm.xlane v3, v2;
	v4 =	vadd.s32 v1, v4;
	_ =	sdelay $0x1  }
0xce: {  	v3 =	vadd.s32 v1, v3;
	_ =	sdelay $0x1  }
0xcf: {  	s20 =	simm.s32 $0x12800  }
0xd0: {  	[tilespmem:s20], [sflag:$0x2] =	stream.indirect_vreg.gather [hbm4b:s3+s2], $0x80, v4, vm0, $0xb8;
	[tilespmem:$0x16800] =	vst v63  }
0xd1: {  	s21 =	simm.s32 $0x13000  }
0xd2: {  	[tilespmem:s21], [sflag:$0x2] =	stream.indirect_vreg.gather [hbm4b:s3+s2], $0x80, v3, vm0, $0xb8;
	[tilespmem:$0x16800] =	vst v63  }
0xd3: {  	v3 =	vld [tilespmem:$0x1A0];
	_ =	sdelay $0x4  }
0xd4: {  	v61 =	vshll.u32 v3, $0x1  }
0xd5: {  	v3 =	vand.u32 $0x7, v3;
	v4 =	vand.u32 $0xFFFFFFF0, v61  }
0xd6: {  	v3 =	vor.u32 v3, v4  }
0xd7: {  	v4 =	vperm.xlane v3, v0;
	_ =	sdelay $0x1  }
0xd8: {  	v3 =	vperm.xlane v3, v2;
	v4 =	vadd.s32 v1, v4;
	_ =	sdelay $0x1  }
0xd9: {  	v3 =	vadd.s32 v1, v3;
	_ =	sdelay $0x1  }
0xda: {  	s25 =	simm.s32 $0x13800  }
0xdb: {  	[tilespmem:s25], [sflag:$0x2] =	stream.indirect_vreg.gather [hbm4b:s3+s2], $0x80, v4, vm0, $0xb8;
	[tilespmem:$0x16800] =	vst v63  }
0xdc: {  	s26 =	simm.s32 $0x14000  }
0xdd: {  	[tilespmem:s26], [sflag:$0x2] =	stream.indirect_vreg.gather [hbm4b:s3+s2], $0x80, v3, vm0, $0xb8;
	[tilespmem:$0x16800] =	vst v63  }
0xde: {  	v3 =	vld [tilespmem:$0x1B0];
	_ =	sdelay $0x4  }
0xdf: {  	v62 =	vshll.u32 v3, $0x1  }
0xe0: {  	v3 =	vand.u32 $0x7, v3;
	v4 =	vand.u32 $0xFFFFFFF0, v62  }
0xe1: {  	v3 =	vor.u32 v3, v4  }
0xe2: {  	v4 =	vperm.xlane v3, v0;
	_ =	sdelay $0x1  }
0xe3: {  	v3 =	vperm.xlane v3, v2;
	v4 =	vadd.s32 v1, v4;
	_ =	sdelay $0x1  }
0xe4: {  	v3 =	vadd.s32 v1, v3;
	_ =	sdelay $0x1  }
0xe5: {  	s28 =	simm.s32 $0x14800  }
0xe6: {  	[tilespmem:s28], [sflag:$0x2] =	stream.indirect_vreg.gather [hbm4b:s3+s2], $0x80, v4, vm0, $0xb8;
	[tilespmem:$0x16800] =	vst v63  }
0xe7: {  	s29 =	simm.s32 $0x15000  }
0xe8: {  	[tilespmem:s29], [sflag:$0x2] =	stream.indirect_vreg.gather [hbm4b:s3+s2], $0x80, v3, vm0, $0xb8;
	[tilespmem:$0x16800] =	vst v63  }
0xe9: {  	v3 =	vld [tilespmem:$0x1C0];
	_ =	sdelay $0x4  }
0xea: {  	v63 =	vshll.u32 v3, $0x1  }
0xeb: {  	v3 =	vand.u32 $0x7, v3;
	v4 =	vand.u32 $0xFFFFFFF0, v63  }
0xec: {  	v3 =	vor.u32 v3, v4  }
0xed: {  	v4 =	vperm.xlane v3, v0  }
0xee: {  	s31 =	simm.s32 $0x2800;
	s4 =	simm.s32 $0x15800;
	s5 =	simm.s32 $0x16000  }
0xef: {  	s6 =	simm.s32 $0x5800;
	s7 =	simm.s32 $0x6000;
	s8 =	simm.s32 $0x6800;
	v3 =	vperm.xlane v3, v2;
	v4 =	vadd.s32 v1, v4  }
0xf0: {  	s10 =	simm.s32 $0x7000;
	s11 =	simm.s32 $0x7800;
	s9 =	simm.s32 $0xE000  }
0xf1: {  	s12 =	simm.s32 $0x8000;
	s13 =	simm.s32 $0x8800;
	s14 =	simm.s32 $0x9000;
	v3 =	vadd.s32 v1, v3  }
0xf2: {  	s15 =	simm.s32 $0x9800;
	s16 =	simm.s32 $0xA000;
	s17 =	simm.s32 $0xA800  }
0xf3: {  	s18 =	simm.s32 $0xB000;
	s19 =	simm.s32 $0xB800;
	s20 =	simm.s32 $0xC000  }
0xf4: {  	[tilespmem:s4], [sflag:$0x2] =	stream.indirect_vreg.gather [hbm4b:s3+s2], $0x80, v4, vm0, $0xb8;
	[tilespmem:$0x16800] =	vst v63  }
0xf5: {  	s21 =	simm.s32 $0xD800;
	s25 =	simm.s32 $0xFFFD0800;
	s26 =	simm.s32 $0x3C0  }
0xf6: {  	[tilespmem:s5], [sflag:$0x2] =	stream.indirect_vreg.gather [hbm4b:s3+s2], $0x80, v3, vm0, $0xb8;
	[tilespmem:$0x16800] =	vst v63  }
.LBB2_2:
0xf7: {  	_ =	swait.ge [sflag:s22], $0x5000  }
0xf8: {  	[sflag:s22] =	ssyncset.done $0x0  }
0xf9: {  	[sflag:s22] =	ssyncadd.s32 $0xFFFFB000  }
0xfa: {  	_ =	swait.ge [sflag:s22], $0x5000  }
0xfb: {  	s28 =	rddreg [dreg:$0x3]  }
0xfc: {  	[sflag:s22] =	ssyncset.done $0x0;
	s28 =	sadd.s32 s25, s28  }
0xfd: {  	s0 =	simm.s32 $0xC800;
	[sflag:s22] =	ssyncadd.s32 $0xFFFFB000;
	s29 =	sadd.s32 $0x30C00, s28  }
0xfe: {  	[hbm4b:s29+s2] =	stream.linear.scatter [tilespmem:s0], [sflag:$0x4], $0xA000, $0x38;
	[tilespmem:$0x16800] =	vst v63  }
0xff: {  	_ =	swait.ge [sflag:s23], $0xA000  }
0x100: {  	[sflag:s23] =	ssyncset.done $0x0  }
0x101: {  	[sflag:s23] =	ssyncadd.s32 $0xFFFF6000  }
0x102: {  	v3 =	vld [tilespmem:s26+$0xFFFFFE40];
	_ =	sdelay $0x4  }
0x103: {  	v4 =	vshll.u32 v3, $0x1  }
0x104: {  	v3 =	vand.u32 $0x7, v3;
	v4 =	vand.u32 $0xFFFFFFF0, v4  }
0x105: {  	v3 =	vor.u32 v3, v4  }
0x106: {  	v4 =	vperm.xlane v3, v0;
	_ =	sdelay $0x1  }
0x107: {  	v3 =	vperm.xlane v3, v2;
	v4 =	vadd.s32 v1, v4;
	_ =	sdelay $0x1  }
0x108: {  	v3 =	vadd.s32 v1, v3;
	_ =	sdelay $0x2  }
0x109: {  	[tilespmem:s31], [sflag:$0x1] =	stream.indirect_vreg.gather [hbm4b:s3+s2], $0x80, v4, vm0, $0xb8;
	[tilespmem:$0x16800] =	vst v63  }
0x10a: {  	s29 =	simm.s32 $0x3000  }
0x10b: {  	[tilespmem:s29], [sflag:$0x1] =	stream.indirect_vreg.gather [hbm4b:s3+s2], $0x80, v3, vm0, $0xb8;
	[tilespmem:$0x16800] =	vst v63  }
0x10c: {  	v3 =	vld [tilespmem:s26+$0xFFFFFE50];
	_ =	sdelay $0x4  }
0x10d: {  	v45 =	vshll.u32 v3, $0x1  }
0x10e: {  	v3 =	vand.u32 $0x7, v3;
	v4 =	vand.u32 $0xFFFFFFF0, v45  }
0x10f: {  	v3 =	vor.u32 v3, v4  }
0x110: {  	v4 =	vperm.xlane v3, v0;
	_ =	sdelay $0x1  }
0x111: {  	v3 =	vperm.xlane v3, v2;
	v4 =	vadd.s32 v1, v4;
	_ =	sdelay $0x1  }
0x112: {  	v3 =	vadd.s32 v1, v3;
	_ =	sdelay $0x1  }
0x113: {  	s1 =	simm.s32 $0x3800  }
0x114: {  	[tilespmem:s1], [sflag:$0x1] =	stream.indirect_vreg.gather [hbm4b:s3+s2], $0x80, v4, vm0, $0xb8;
	[tilespmem:$0x16800] =	vst v63  }
0x115: {  	s1 =	simm.s32 $0x4000  }
0x116: {  	[tilespmem:s1], [sflag:$0x1] =	stream.indirect_vreg.gather [hbm4b:s3+s2], $0x80, v3, vm0, $0xb8;
	[tilespmem:$0x16800] =	vst v63  }
0x117: {  	v3 =	vld [tilespmem:s26+$0xFFFFFE60];
	_ =	sdelay $0x4  }
0x118: {  	v46 =	vshll.u32 v3, $0x1  }
0x119: {  	v3 =	vand.u32 $0x7, v3;
	v4 =	vand.u32 $0xFFFFFFF0, v46  }
0x11a: {  	v3 =	vor.u32 v3, v4  }
0x11b: {  	v4 =	vperm.xlane v3, v0;
	_ =	sdelay $0x1  }
0x11c: {  	v3 =	vperm.xlane v3, v2;
	v4 =	vadd.s32 v1, v4;
	_ =	sdelay $0x1  }
0x11d: {  	v3 =	vadd.s32 v1, v3;
	_ =	sdelay $0x1  }
0x11e: {  	s1 =	simm.s32 $0x4800  }
0x11f: {  	[tilespmem:s1], [sflag:$0x1] =	stream.indirect_vreg.gather [hbm4b:s3+s2], $0x80, v4, vm0, $0xb8;
	[tilespmem:$0x16800] =	vst v63  }
0x120: {  	s1 =	simm.s32 $0x5000  }
0x121: {  	[tilespmem:s1], [sflag:$0x1] =	stream.indirect_vreg.gather [hbm4b:s3+s2], $0x80, v3, vm0, $0xb8;
	[tilespmem:$0x16800] =	vst v63  }
0x122: {  	v3 =	vld [tilespmem:s26+$0xFFFFFE70];
	_ =	sdelay $0x4  }
0x123: {  	v47 =	vshll.u32 v3, $0x1  }
0x124: {  	v3 =	vand.u32 $0x7, v3;
	v4 =	vand.u32 $0xFFFFFFF0, v47  }
0x125: {  	v3 =	vor.u32 v3, v4  }
0x126: {  	v4 =	vperm.xlane v3, v0;
	_ =	sdelay $0x1  }
0x127: {  	v3 =	vperm.xlane v3, v2;
	v4 =	vadd.s32 v1, v4;
	_ =	sdelay $0x1  }
0x128: {  	v3 =	vadd.s32 v1, v3;
	_ =	sdelay $0x2  }
0x129: {  	[tilespmem:s6], [sflag:$0x1] =	stream.indirect_vreg.gather [hbm4b:s3+s2], $0x80, v4, vm0, $0xb8;
	[tilespmem:$0x16800] =	vst v63  }
0x12a: {  	_ = 	snop  }
0x12b: {  	[tilespmem:s7], [sflag:$0x1] =	stream.indirect_vreg.gather [hbm4b:s3+s2], $0x80, v3, vm0, $0xb8;
	[tilespmem:$0x16800] =	vst v63  }
0x12c: {  	v3 =	vld [tilespmem:s26+$0xFFFFFE80];
	_ =	sdelay $0x4  }
0x12d: {  	v48 =	vshll.u32 v3, $0x1  }
0x12e: {  	v3 =	vand.u32 $0x7, v3;
	v4 =	vand.u32 $0xFFFFFFF0, v48  }
0x12f: {  	v3 =	vor.u32 v3, v4  }
0x130: {  	v4 =	vperm.xlane v3, v0;
	_ =	sdelay $0x1  }
0x131: {  	v3 =	vperm.xlane v3, v2;
	v4 =	vadd.s32 v1, v4;
	_ =	sdelay $0x1  }
0x132: {  	v3 =	vadd.s32 v1, v3;
	_ =	sdelay $0x2  }
0x133: {  	[tilespmem:s8], [sflag:$0x1] =	stream.indirect_vreg.gather [hbm4b:s3+s2], $0x80, v4, vm0, $0xb8;
	[tilespmem:$0x16800] =	vst v63  }
0x134: {  	_ = 	snop  }
0x135: {  	[tilespmem:s10], [sflag:$0x1] =	stream.indirect_vreg.gather [hbm4b:s3+s2], $0x80, v3, vm0, $0xb8;
	[tilespmem:$0x16800] =	vst v63  }
0x136: {  	v3 =	vld [tilespmem:s26+$0xFFFFFEC0];
	_ =	sdelay $0x4  }
0x137: {  	v49 =	vshll.u32 v3, $0x1  }
0x138: {  	v3 =	vand.u32 $0x7, v3;
	v4 =	vand.u32 $0xFFFFFFF0, v49  }
0x139: {  	v3 =	vor.u32 v3, v4  }
0x13a: {  	v4 =	vperm.xlane v3, v0;
	_ =	sdelay $0x1  }
0x13b: {  	v3 =	vperm.xlane v3, v2;
	v4 =	vadd.s32 v1, v4;
	_ =	sdelay $0x1  }
0x13c: {  	v3 =	vadd.s32 v1, v3;
	_ =	sdelay $0x2  }
0x13d: {  	[tilespmem:s11], [sflag:$0x1] =	stream.indirect_vreg.gather [hbm4b:s3+s2], $0x80, v4, vm0, $0xb8;
	[tilespmem:$0x16800] =	vst v63  }
0x13e: {  	_ = 	snop  }
0x13f: {  	[tilespmem:s12], [sflag:$0x1] =	stream.indirect_vreg.gather [hbm4b:s3+s2], $0x80, v3, vm0, $0xb8;
	[tilespmem:$0x16800] =	vst v63  }
0x140: {  	v3 =	vld [tilespmem:s26+$0xFFFFFED0];
	_ =	sdelay $0x4  }
0x141: {  	v50 =	vshll.u32 v3, $0x1  }
0x142: {  	v3 =	vand.u32 $0x7, v3;
	v4 =	vand.u32 $0xFFFFFFF0, v50  }
0x143: {  	v3 =	vor.u32 v3, v4  }
0x144: {  	v4 =	vperm.xlane v3, v0;
	_ =	sdelay $0x1  }
0x145: {  	v3 =	vperm.xlane v3, v2;
	v4 =	vadd.s32 v1, v4;
	_ =	sdelay $0x1  }
0x146: {  	v3 =	vadd.s32 v1, v3;
	_ =	sdelay $0x2  }
0x147: {  	[tilespmem:s13], [sflag:$0x1] =	stream.indirect_vreg.gather [hbm4b:s3+s2], $0x80, v4, vm0, $0xb8;
	[tilespmem:$0x16800] =	vst v63  }
0x148: {  	_ = 	snop  }
0x149: {  	[tilespmem:s14], [sflag:$0x1] =	stream.indirect_vreg.gather [hbm4b:s3+s2], $0x80, v3, vm0, $0xb8;
	[tilespmem:$0x16800] =	vst v63  }
0x14a: {  	v3 =	vld [tilespmem:s26+$0xFFFFFEE0];
	_ =	sdelay $0x4  }
0x14b: {  	v51 =	vshll.u32 v3, $0x1  }
0x14c: {  	v3 =	vand.u32 $0x7, v3;
	v4 =	vand.u32 $0xFFFFFFF0, v51  }
0x14d: {  	v3 =	vor.u32 v3, v4  }
0x14e: {  	v4 =	vperm.xlane v3, v0;
	_ =	sdelay $0x1  }
0x14f: {  	v3 =	vperm.xlane v3, v2;
	v4 =	vadd.s32 v1, v4;
	_ =	sdelay $0x1  }
0x150: {  	v3 =	vadd.s32 v1, v3;
	_ =	sdelay $0x2  }
0x151: {  	[tilespmem:s15], [sflag:$0x1] =	stream.indirect_vreg.gather [hbm4b:s3+s2], $0x80, v4, vm0, $0xb8;
	[tilespmem:$0x16800] =	vst v63  }
0x152: {  	_ = 	snop  }
0x153: {  	[tilespmem:s16], [sflag:$0x1] =	stream.indirect_vreg.gather [hbm4b:s3+s2], $0x80, v3, vm0, $0xb8;
	[tilespmem:$0x16800] =	vst v63  }
0x154: {  	v3 =	vld [tilespmem:s26+$0xFFFFFEF0];
	_ =	sdelay $0x4  }
0x155: {  	v52 =	vshll.u32 v3, $0x1  }
0x156: {  	v3 =	vand.u32 $0x7, v3;
	v4 =	vand.u32 $0xFFFFFFF0, v52  }
0x157: {  	v3 =	vor.u32 v3, v4  }
0x158: {  	v4 =	vperm.xlane v3, v0;
	_ =	sdelay $0x1  }
0x159: {  	v3 =	vperm.xlane v3, v2;
	v4 =	vadd.s32 v1, v4;
	_ =	sdelay $0x1  }
0x15a: {  	v3 =	vadd.s32 v1, v3;
	_ =	sdelay $0x2  }
0x15b: {  	[tilespmem:s17], [sflag:$0x1] =	stream.indirect_vreg.gather [hbm4b:s3+s2], $0x80, v4, vm0, $0xb8;
	[tilespmem:$0x16800] =	vst v63  }
0x15c: {  	_ = 	snop  }
0x15d: {  	[tilespmem:s18], [sflag:$0x1] =	stream.indirect_vreg.gather [hbm4b:s3+s2], $0x80, v3, vm0, $0xb8;
	[tilespmem:$0x16800] =	vst v63  }
0x15e: {  	v3 =	vld [tilespmem:s26+$0xFFFFFF00];
	_ =	sdelay $0x4  }
0x15f: {  	v53 =	vshll.u32 v3, $0x1  }
0x160: {  	v3 =	vand.u32 $0x7, v3;
	v4 =	vand.u32 $0xFFFFFFF0, v53  }
0x161: {  	v3 =	vor.u32 v3, v4  }
0x162: {  	v4 =	vperm.xlane v3, v0;
	_ =	sdelay $0x1  }
0x163: {  	v3 =	vperm.xlane v3, v2;
	v4 =	vadd.s32 v1, v4;
	_ =	sdelay $0x1  }
0x164: {  	v3 =	vadd.s32 v1, v3;
	_ =	sdelay $0x2  }
0x165: {  	[tilespmem:s19], [sflag:$0x1] =	stream.indirect_vreg.gather [hbm4b:s3+s2], $0x80, v4, vm0, $0xb8;
	[tilespmem:$0x16800] =	vst v63  }
0x166: {  	_ = 	snop  }
0x167: {  	[tilespmem:s20], [sflag:$0x1] =	stream.indirect_vreg.gather [hbm4b:s3+s2], $0x80, v3, vm0, $0xb8;
	[tilespmem:$0x16800] =	vst v63  }
0x168: {  	_ =	swait.ge [sflag:s30], $0x5000  }
0x169: {  	[sflag:s30] =	ssyncset.done $0x0  }
0x16a: {  	[sflag:s30] =	ssyncadd.s32 $0xFFFFB000  }
0x16b: {  	_ =	swait.ge [sflag:s30], $0x5000  }
0x16c: {  	[sflag:s30] =	ssyncset.done $0x0  }
0x16d: {  	s28 =	sadd.s32 $0x32000, s28;
	[sflag:s30] =	ssyncadd.s32 $0xFFFFB000  }
0x16e: {  	[hbm4b:s28+s2] =	stream.linear.scatter [tilespmem:s31], [sflag:$0x3], $0xA000, $0x38;
	[tilespmem:$0x16800] =	vst v63  }
0x16f: {  	_ =	swait.ge [sflag:s24], $0xA000  }
0x170: {  	[sflag:s24] =	ssyncset.done $0x0  }
0x171: {  	[sflag:s24] =	ssyncadd.s32 $0xFFFF6000  }
0x172: {  	v3 =	vld [tilespmem:s26+$0xFFFFFF40];
	_ =	sdelay $0x4  }
0x173: {  	v54 =	vshll.u32 v3, $0x1  }
0x174: {  	v3 =	vand.u32 $0x7, v3;
	v4 =	vand.u32 $0xFFFFFFF0, v54  }
0x175: {  	v3 =	vor.u32 v3, v4  }
0x176: {  	v4 =	vperm.xlane v3, v0;
	_ =	sdelay $0x1  }
0x177: {  	v3 =	vperm.xlane v3, v2;
	v4 =	vadd.s32 v1, v4;
	_ =	sdelay $0x1  }
0x178: {  	v3 =	vadd.s32 v1, v3;
	_ =	sdelay $0x2  }
0x179: {  	[tilespmem:s0], [sflag:$0x2] =	stream.indirect_vreg.gather [hbm4b:s3+s2], $0x80, v4, vm0, $0xb8;
	[tilespmem:$0x16800] =	vst v63  }
0x17a: {  	s28 =	simm.s32 $0xD000  }
0x17b: {  	[tilespmem:s28], [sflag:$0x2] =	stream.indirect_vreg.gather [hbm4b:s3+s2], $0x80, v3, vm0, $0xb8;
	[tilespmem:$0x16800] =	vst v63  }
0x17c: {  	v3 =	vld [tilespmem:s26+$0xFFFFFF50];
	_ =	sdelay $0x4  }
0x17d: {  	v55 =	vshll.u32 v3, $0x1  }
0x17e: {  	v3 =	vand.u32 $0x7, v3;
	v4 =	vand.u32 $0xFFFFFFF0, v55  }
0x17f: {  	v3 =	vor.u32 v3, v4  }
0x180: {  	v4 =	vperm.xlane v3, v0;
	_ =	sdelay $0x1  }
0x181: {  	v3 =	vperm.xlane v3, v2;
	v4 =	vadd.s32 v1, v4;
	_ =	sdelay $0x1  }
0x182: {  	v3 =	vadd.s32 v1, v3;
	_ =	sdelay $0x2  }
0x183: {  	[tilespmem:s21], [sflag:$0x2] =	stream.indirect_vreg.gather [hbm4b:s3+s2], $0x80, v4, vm0, $0xb8;
	[tilespmem:$0x16800] =	vst v63  }
0x184: {  	_ = 	snop  }
0x185: {  	[tilespmem:s9], [sflag:$0x2] =	stream.indirect_vreg.gather [hbm4b:s3+s2], $0x80, v3, vm0, $0xb8;
	[tilespmem:$0x16800] =	vst v63  }
0x186: {  	v3 =	vld [tilespmem:s26+$0xFFFFFF60];
	_ =	sdelay $0x4  }
0x187: {  	v56 =	vshll.u32 v3, $0x1  }
0x188: {  	v3 =	vand.u32 $0x7, v3;
	v4 =	vand.u32 $0xFFFFFFF0, v56  }
0x189: {  	v3 =	vor.u32 v3, v4  }
0x18a: {  	v4 =	vperm.xlane v3, v0;
	_ =	sdelay $0x1  }
0x18b: {  	v3 =	vperm.xlane v3, v2;
	v4 =	vadd.s32 v1, v4;
	_ =	sdelay $0x1  }
0x18c: {  	v3 =	vadd.s32 v1, v3;
	_ =	sdelay $0x1  }
0x18d: {  	s0 =	simm.s32 $0xE800  }
0x18e: {  	[tilespmem:s0], [sflag:$0x2] =	stream.indirect_vreg.gather [hbm4b:s3+s2], $0x80, v4, vm0, $0xb8;
	[tilespmem:$0x16800] =	vst v63  }
0x18f: {  	s0 =	simm.s32 $0xF000  }
0x190: {  	[tilespmem:s0], [sflag:$0x2] =	stream.indirect_vreg.gather [hbm4b:s3+s2], $0x80, v3, vm0, $0xb8;
	[tilespmem:$0x16800] =	vst v63  }
0x191: {  	v3 =	vld [tilespmem:s26+$0xFFFFFF70];
	_ =	sdelay $0x4  }
0x192: {  	v57 =	vshll.u32 v3, $0x1  }
0x193: {  	v3 =	vand.u32 $0x7, v3;
	v4 =	vand.u32 $0xFFFFFFF0, v57  }
0x194: {  	v3 =	vor.u32 v3, v4  }
0x195: {  	v4 =	vperm.xlane v3, v0;
	_ =	sdelay $0x1  }
0x196: {  	v3 =	vperm.xlane v3, v2;
	v4 =	vadd.s32 v1, v4;
	_ =	sdelay $0x1  }
0x197: {  	v3 =	vadd.s32 v1, v3;
	_ =	sdelay $0x1  }
0x198: {  	s0 =	simm.s32 $0xF800  }
0x199: {  	[tilespmem:s0], [sflag:$0x2] =	stream.indirect_vreg.gather [hbm4b:s3+s2], $0x80, v4, vm0, $0xb8;
	[tilespmem:$0x16800] =	vst v63  }
0x19a: {  	s0 =	simm.s32 $0x10000  }
0x19b: {  	[tilespmem:s0], [sflag:$0x2] =	stream.indirect_vreg.gather [hbm4b:s3+s2], $0x80, v3, vm0, $0xb8;
	[tilespmem:$0x16800] =	vst v63  }
0x19c: {  	v3 =	vld [tilespmem:s26+$0xFFFFFF80];
	_ =	sdelay $0x4  }
0x19d: {  	v58 =	vshll.u32 v3, $0x1  }
0x19e: {  	v3 =	vand.u32 $0x7, v3;
	v4 =	vand.u32 $0xFFFFFFF0, v58  }
0x19f: {  	v3 =	vor.u32 v3, v4  }
0x1a0: {  	v4 =	vperm.xlane v3, v0;
	_ =	sdelay $0x1  }
0x1a1: {  	v3 =	vperm.xlane v3, v2;
	v4 =	vadd.s32 v1, v4;
	_ =	sdelay $0x1  }
0x1a2: {  	v3 =	vadd.s32 v1, v3;
	_ =	sdelay $0x1  }
0x1a3: {  	s0 =	simm.s32 $0x10800  }
0x1a4: {  	[tilespmem:s0], [sflag:$0x2] =	stream.indirect_vreg.gather [hbm4b:s3+s2], $0x80, v4, vm0, $0xb8;
	[tilespmem:$0x16800] =	vst v63  }
0x1a5: {  	s0 =	simm.s32 $0x11000  }
0x1a6: {  	[tilespmem:s0], [sflag:$0x2] =	stream.indirect_vreg.gather [hbm4b:s3+s2], $0x80, v3, vm0, $0xb8;
	[tilespmem:$0x16800] =	vst v63  }
0x1a7: {  	v3 =	vld [tilespmem:s26+$0xFFFFFFC0];
	_ =	sdelay $0x4  }
0x1a8: {  	v59 =	vshll.u32 v3, $0x1  }
0x1a9: {  	v3 =	vand.u32 $0x7, v3;
	v4 =	vand.u32 $0xFFFFFFF0, v59  }
0x1aa: {  	v3 =	vor.u32 v3, v4  }
0x1ab: {  	v4 =	vperm.xlane v3, v0;
	_ =	sdelay $0x1  }
0x1ac: {  	v3 =	vperm.xlane v3, v2;
	v4 =	vadd.s32 v1, v4;
	_ =	sdelay $0x1  }
0x1ad: {  	v3 =	vadd.s32 v1, v3;
	_ =	sdelay $0x1  }
0x1ae: {  	s0 =	simm.s32 $0x11800  }
0x1af: {  	[tilespmem:s0], [sflag:$0x2] =	stream.indirect_vreg.gather [hbm4b:s3+s2], $0x80, v4, vm0, $0xb8;
	[tilespmem:$0x16800] =	vst v63  }
0x1b0: {  	s0 =	simm.s32 $0x12000  }
0x1b1: {  	[tilespmem:s0], [sflag:$0x2] =	stream.indirect_vreg.gather [hbm4b:s3+s2], $0x80, v3, vm0, $0xb8;
	[tilespmem:$0x16800] =	vst v63  }
0x1b2: {  	v3 =	vld [tilespmem:s26+$0xFFFFFFD0];
	_ =	sdelay $0x4  }
0x1b3: {  	v60 =	vshll.u32 v3, $0x1  }
0x1b4: {  	v3 =	vand.u32 $0x7, v3;
	v4 =	vand.u32 $0xFFFFFFF0, v60  }
0x1b5: {  	v3 =	vor.u32 v3, v4  }
0x1b6: {  	v4 =	vperm.xlane v3, v0;
	_ =	sdelay $0x1  }
0x1b7: {  	v3 =	vperm.xlane v3, v2;
	v4 =	vadd.s32 v1, v4;
	_ =	sdelay $0x1  }
0x1b8: {  	v3 =	vadd.s32 v1, v3;
	_ =	sdelay $0x1  }
0x1b9: {  	s0 =	simm.s32 $0x12800  }
0x1ba: {  	[tilespmem:s0], [sflag:$0x2] =	stream.indirect_vreg.gather [hbm4b:s3+s2], $0x80, v4, vm0, $0xb8;
	[tilespmem:$0x16800] =	vst v63  }
0x1bb: {  	s0 =	simm.s32 $0x13000  }
0x1bc: {  	[tilespmem:s0], [sflag:$0x2] =	stream.indirect_vreg.gather [hbm4b:s3+s2], $0x80, v3, vm0, $0xb8;
	[tilespmem:$0x16800] =	vst v63  }
0x1bd: {  	v3 =	vld [tilespmem:s26+$0xFFFFFFE0];
	_ =	sdelay $0x4  }
0x1be: {  	v61 =	vshll.u32 v3, $0x1  }
0x1bf: {  	v3 =	vand.u32 $0x7, v3;
	v4 =	vand.u32 $0xFFFFFFF0, v61  }
0x1c0: {  	v3 =	vor.u32 v3, v4  }
0x1c1: {  	v4 =	vperm.xlane v3, v0;
	_ =	sdelay $0x1  }
0x1c2: {  	v3 =	vperm.xlane v3, v2;
	v4 =	vadd.s32 v1, v4;
	_ =	sdelay $0x1  }
0x1c3: {  	v3 =	vadd.s32 v1, v3;
	_ =	sdelay $0x1  }
0x1c4: {  	s0 =	simm.s32 $0x13800  }
0x1c5: {  	[tilespmem:s0], [sflag:$0x2] =	stream.indirect_vreg.gather [hbm4b:s3+s2], $0x80, v4, vm0, $0xb8;
	[tilespmem:$0x16800] =	vst v63  }
0x1c6: {  	s0 =	simm.s32 $0x14000  }
0x1c7: {  	[tilespmem:s0], [sflag:$0x2] =	stream.indirect_vreg.gather [hbm4b:s3+s2], $0x80, v3, vm0, $0xb8;
	[tilespmem:$0x16800] =	vst v63  }
0x1c8: {  	v3 =	vld [tilespmem:s26+$0xFFFFFFF0];
	_ =	sdelay $0x4  }
0x1c9: {  	v62 =	vshll.u32 v3, $0x1  }
0x1ca: {  	v3 =	vand.u32 $0x7, v3;
	v4 =	vand.u32 $0xFFFFFFF0, v62  }
0x1cb: {  	v3 =	vor.u32 v3, v4  }
0x1cc: {  	v4 =	vperm.xlane v3, v0;
	_ =	sdelay $0x1  }
0x1cd: {  	v3 =	vperm.xlane v3, v2;
	v4 =	vadd.s32 v1, v4;
	_ =	sdelay $0x1  }
0x1ce: {  	v3 =	vadd.s32 v1, v3;
	_ =	sdelay $0x1  }
0x1cf: {  	s0 =	simm.s32 $0x14800  }
0x1d0: {  	[tilespmem:s0], [sflag:$0x2] =	stream.indirect_vreg.gather [hbm4b:s3+s2], $0x80, v4, vm0, $0xb8;
	[tilespmem:$0x16800] =	vst v63  }
0x1d1: {  	s0 =	simm.s32 $0x15000  }
0x1d2: {  	[tilespmem:s0], [sflag:$0x2] =	stream.indirect_vreg.gather [hbm4b:s3+s2], $0x80, v3, vm0, $0xb8;
	[tilespmem:$0x16800] =	vst v63  }
0x1d3: {  	v3 =	vld [tilespmem:s26+$0x0];
	_ =	sdelay $0x4  }
0x1d4: {  	v63 =	vshll.u32 v3, $0x1  }
0x1d5: {  	v3 =	vand.u32 $0x7, v3;
	v4 =	vand.u32 $0xFFFFFFF0, v63  }
0x1d6: {  	v3 =	vor.u32 v3, v4  }
0x1d7: {  	v4 =	vperm.xlane v3, v0;
	_ =	sdelay $0x1  }
0x1d8: {  	v3 =	vperm.xlane v3, v2;
	v4 =	vadd.s32 v1, v4;
	_ =	sdelay $0x1  }
0x1d9: {  	p0 =	sne.s32 s25, $0xFFFFD800;
	v3 =	vadd.s32 v1, v3  }
.Ltmp0:
0x1da: {  	_ = 	snop;
	(pc) =	sbr.rel @p0 .LBB2_2-.Ltmp0, $4  }
0x1db: {  	_ = 	snop  }
0x1dc: {  	[tilespmem:s4], [sflag:$0x2] =	stream.indirect_vreg.gather [hbm4b:s3+s2], $0x80, v4, vm0, $0xb8;
	[tilespmem:$0x16800] =	vst v63  }
0x1dd: {  	s25 =	sadd.s32 $0x2800, s25;
	s1 =	simm.s32 $0xC800;
	s26 =	sadd.s32 $0x200, s26  }
0x1de: {  	[tilespmem:s5], [sflag:$0x2] =	stream.indirect_vreg.gather [hbm4b:s3+s2], $0x80, v3, vm0, $0xb8;
	[tilespmem:$0x16800] =	vst v63  }
0x1df: {  	_ =	swait.ge [sflag:s22], $0x5000  }
0x1e0: {  	[sflag:s22] =	ssyncset.done $0x0  }
0x1e1: {  	[sflag:s22] =	ssyncadd.s32 $0xFFFFB000  }
0x1e2: {  	_ =	swait.ge [sflag:s22], $0x5000  }
0x1e3: {  	[sflag:s22] =	ssyncset.done $0x0  }
0x1e4: {  	s25 =	rddreg [dreg:$0x6];
	[sflag:s22] =	ssyncadd.s32 $0xFFFFB000  }
0x1e5: {  	[hbm4b:s25+s2] =	stream.linear.scatter [tilespmem:s1], [sflag:$0x4], $0xA000, $0x38;
	[tilespmem:$0x16800] =	vst v63  }
0x1e6: {  	_ =	swait.ge [sflag:s23], $0xA000  }
0x1e7: {  	s31 =	simm.s32 $0x3800;
	[sflag:s23] =	ssyncset.done $0x0  }
0x1e8: {  	s4 =	simm.s32 $0x4800;
	s5 =	simm.s32 $0x5000;
	[sflag:s23] =	ssyncadd.s32 $0xFFFF6000  }
0x1e9: {  	s6 =	simm.s32 $0x5800;
	s7 =	simm.s32 $0x6000;
	_ =	swait.ge [sflag:s24], $0xA000  }
0x1ea: {  	s8 =	simm.s32 $0x6800;
	s10 =	simm.s32 $0x7000;
	s0 =	rddreg [dreg:$0x8]  }
0x1eb: {  	s11 =	simm.s32 $0x7800;
	s26 =	rddreg [dreg:$0x7];
	s0 =	sadd.s32 $0x1, s0  }
0x1ec: {  	s12 =	simm.s32 $0x8000;
	s13 =	simm.s32 $0x8800;
	p0 =	sne.s32 s0, s26  }
.Ltmp1:
0x1ed: {  	s14 =	simm.s32 $0x9000;
	s15 =	simm.s32 $0x9800;
	(pc) =	sbr.rel @p0 .LBB2_1-.Ltmp1, $4  }
0x1ee: {  	s16 =	simm.s32 $0xA000;
	s17 =	simm.s32 $0xA800;
	s18 =	simm.s32 $0xB000  }
0x1ef: {  	s19 =	simm.s32 $0xB800;
	s20 =	simm.s32 $0xC000;
	[sflag:s24] =	ssyncset.done $0x0  }
0x1f0: {  	s21 =	simm.s32 $0xD800;
	s9 =	simm.s32 $0xE000;
	[sflag:s24] =	ssyncadd.s32 $0xFFFF6000  }
0x1f1: {  	[dreg:$0x8] =	wrdreg s0;
	s0 =	simm.s32 $0x4000;
	s26 =	simm.s32 $0x2800  }
0x1f2: {  	_ =	sfence.sel $0x180000  }
0x1f3: {  	[bflag:$0x0] =	sbarrier.arrive $0xFFFF  }
0x1f4: {  	_ =	strace $0x90000047  }
0x1f5: {  	s0 =	stileid.u32;
	[bflag:$0x2] =	sbarrier.arrive $0xFFFF  }
0x1f6: {  	p0 =	sne.s32 s0, $0x0;
	s0 =	rddreg [dreg:$0x2]  }
0x1f7: {  	s0 =	sadd.s32 @!p0 $0x100000, s0  }
0x1f8: {  	[sflag:s0] =	ssyncadd.tile.s32 @!p0 $0x1;
	_ =	shalt  }
.Lfunc_end2:
_tile_overlayer_lowered:
.L_overlay_start_2:
0x1f9: {  	(tag) =	ssettag $0x2  }
0x1fa: {  	s0 =	rddreg [dreg:$0x0];
	s2 =	stileid.u32  }
0x1fb: {  	s1 =	rddreg [dreg:$0x1];
	p0 =	sne.s32 s2, $0x0  }
0x1fc: {  	s3 =	rddreg [dreg:$0x2];
	[bflag:$0x3] =	sbarrier.arrive $0xFFFF;
	s2 =	simm.s32 @!p0 $0x1C05  }
0x1fd: {  	[timem:s3], [sflag:s2] =	dma.local @!p0 [hbm:s0], s1  }
0x1fe: {  	s0 =	simm.s32 @!p0 $0x5  }
0x1ff: {  	_ =	swait.ge @!p0 [sflag:s0], s1  }
0x200: {  	s1 =	ssub.s32 @!p0 $0x0, s1;
	[sflag:s0] =	ssyncset.done @!p0 $0x0  }
0x201: {  	[sflag:s0] =	ssyncadd.s32 @!p0 s1  }
0x202: {  	[bflag:$0x3] =	sbarrier.arrive $0xFFFF  }
0x203: {  	_ =	shalt  }

</sc_bundles>
